<compile_context>
chip_gen: v7x
topology: tpu7x:2x2x1
jax: 0.10.2.dev20260603
libtpu: 0.0.44.dev20260713+nightly
codegen_flags: <defaults>
</compile_context>

<pallas_src>
import functools
import math

import jax
import jax.numpy as jnp
from jax import lax
from jax.experimental import pallas as pl
from jax.experimental.pallas import tpu as pltpu
from jax.experimental.pallas import tpu_sc as plsc

_NFEAT = 128
_NCLASS = 16
_B = 100000
_NC = 2
_NS = 16
_NW = _NC * _NS
_CHUNK = 400
_NSLOT = 2
_K = 2
_B_PAD = 102400
_SLICE = _B_PAD // _K
_CPW = _SLICE // (_NW * _CHUNK)
_RPW = _CPW * _CHUNK


def _sc_gather(x, idx_slice):
    mesh = plsc.VectorSubcoreMesh(core_axis_name="c", subcore_axis_name="s")

    @functools.partial(
        pl.kernel,
        out_type=jax.ShapeDtypeStruct((_SLICE, _NFEAT), jnp.float32),
        mesh=mesh,
        scratch_types=[
            pltpu.VMEM((_RPW,), jnp.int32),
            pltpu.VMEM((_NSLOT, _CHUNK, _NFEAT), jnp.float32),
            pltpu.SemaphoreType.DMA((_NSLOT,)),
            pltpu.SemaphoreType.DMA((_NSLOT,)),
        ],
    )
    def gather_kernel(x_hbm, idx_hbm, out_hbm, idx_v, rows_v, gsems, ssems):
        wid = lax.axis_index("s") * _NC + lax.axis_index("c")
        row0 = wid * _RPW
        pltpu.sync_copy(idx_hbm.at[pl.ds(row0, _RPW)], idx_v)

        def start_gather(c, slot):
            pltpu.async_copy(x_hbm.at[idx_v.at[pl.ds(c * _CHUNK, _CHUNK)]],
                             rows_v.at[slot], gsems.at[slot])

        def gather_desc(c, slot):
            return pltpu.make_async_copy(
                x_hbm.at[idx_v.at[pl.ds(c * _CHUNK, _CHUNK)]],
                rows_v.at[slot], gsems.at[slot])

        def scatter_desc(c, slot):
            return pltpu.make_async_copy(
                rows_v.at[slot],
                out_hbm.at[pl.ds(row0 + c * _CHUNK, _CHUNK)],
                ssems.at[slot])

        start_gather(0, 0)
        for j in range(_CPW):
            slot = j % _NSLOT
            gather_desc(j, slot).wait()
            scatter_desc(j, slot).start()
            n = j + 1
            if n < _CPW:
                if n >= _NSLOT:
                    scatter_desc(n - _NSLOT, n % _NSLOT).wait()
                start_gather(n, n % _NSLOT)
        for c in range(max(_CPW - _NSLOT, 0), _CPW):
            scatter_desc(c, c % _NSLOT).wait()

    return gather_kernel(x, idx_slice)


def _tc_fused(anchor, hop_feat, W1, b1, W2, b2, bm, blk0, n_rows):
    scale = 1.0 / math.sqrt(float(_NFEAT))

    def body(a_ref, h_ref, w1_ref, b1_ref, w2_ref, b2_ref, o_ref):
        a = a_ref[...]
        h0 = h_ref[0]
        h1 = h_ref[1]
        h2 = h_ref[2]
        ones = jnp.ones((_NFEAT, 1), jnp.float32)
        d0 = jnp.dot(a * a, ones, preferred_element_type=jnp.float32)
        d1 = jnp.dot(a * h0, ones, preferred_element_type=jnp.float32)
        d2 = jnp.dot(a * h1, ones, preferred_element_type=jnp.float32)
        d3 = jnp.dot(a * h2, ones, preferred_element_type=jnp.float32)
        r = 1.0 / jnp.maximum(jnp.sqrt(d0), 1e-12)
        l0 = d0 * r * r * scale
        rs = r * scale
        l1 = d1 * rs
        l2 = d2 * rs
        l3 = d3 * rs
        m = jnp.maximum(jnp.maximum(l0, l1), jnp.maximum(l2, l3))
        e0 = jnp.exp(l0 - m)
        e1 = jnp.exp(l1 - m)
        e2 = jnp.exp(l2 - m)
        e3 = jnp.exp(l3 - m)
        inv = 1.0 / (e0 + e1 + e2 + e3)
        pooled = ((e0 * r * inv) * a + (e1 * inv) * h0
                  + (e2 * inv) * h1 + (e3 * inv) * h2)
        h = jnp.dot(pooled, w1_ref[...], preferred_element_type=jnp.float32)
        h = jnp.maximum(h + b1_ref[...], 0.0)
        o = jnp.dot(h, w2_ref[...], preferred_element_type=jnp.float32) + b2_ref[...]
        om = jnp.max(o, axis=1, keepdims=True)
        o_ref[...] = (o - om) - jnp.log(
            jnp.sum(jnp.exp(o - om), axis=1, keepdims=True))

    return pl.pallas_call(
        body,
        grid=(n_rows // bm,),
        in_specs=[
            pl.BlockSpec((bm, _NFEAT), lambda i: (i, 0)),
            pl.BlockSpec((3, bm, _NFEAT), lambda i: (0, blk0 + i, 0)),
            pl.BlockSpec((_NFEAT, _NFEAT), lambda i: (0, 0)),
            pl.BlockSpec((1, _NFEAT), lambda i: (0, 0)),
            pl.BlockSpec((_NFEAT, _NCLASS), lambda i: (0, 0)),
            pl.BlockSpec((1, _NCLASS), lambda i: (0, 0)),
        ],
        out_specs=pl.BlockSpec((bm, _NCLASS), lambda i: (i, 0)),
        out_shape=jax.ShapeDtypeStruct((n_rows, _NCLASS), jnp.float32),
    )(anchor, hop_feat, W1, b1, W2, b2)


def kernel(x, hop_feat, idx, W1, b1, W2, b2):
    idx32 = idx.astype(jnp.int32)
    b1r = b1.reshape(1, _NFEAT)
    b2r = b2.reshape(1, _NCLASS)
    bm = 2000 if _K == 1 else 1000
    bs = _B // _K
    pad = jnp.arange(_SLICE - bs, dtype=jnp.int32)
    outs = []
    for k in range(_K):
        idx_slice = jnp.concatenate(
            [lax.slice_in_dim(idx32, k * bs, (k + 1) * bs), pad])
        anchor_k = _sc_gather(x, idx_slice)
        outs.append(_tc_fused(anchor_k, hop_feat, W1, b1r, W2, b2r,
                              bm=bm, blk0=k * (bs // bm), n_rows=bs))
    return jnp.concatenate(outs, axis=0)

# --- scband reference (transcript-rebuilt; emitter-appended) ---
"""Pipeline reference for scband-nrec-gnn-large-85418309583440 (READ-ONLY COPY).

The authoritative reference and input builder live on the scoring server;
editing this copy changes nothing except your own understanding.
"""

import jax, jax.numpy as jnp
import numpy as np

NFEAT = 128
N_HOPS = 3
HIDDEN = 128
NCLASS = 16
N_NODES = 100000
B = 100000


def _l2_normalize(v, axis=1, eps=1e-12):
    norm = jnp.sqrt(jnp.sum(v * v, axis=axis, keepdims=True))
    return v / jnp.maximum(norm, eps)


def setup_inputs(seed: int = 0) -> dict:
    key = jax.random.key(seed)
    k1, k2, k3, k4, k5, k6, k7 = jax.random.split(key, 7)
    x = jax.random.normal(k1, (N_NODES, NFEAT), dtype=jnp.float32)
    hop_feat = jax.random.normal(k2, (N_HOPS, B, NFEAT), dtype=jnp.float32)
    idx = jax.random.randint(k3, (B,), 0, N_NODES, dtype=jnp.int64) if jax.config.read('jax_enable_x64') else jax.random.randint(k3, (B,), 0, N_NODES, dtype=jnp.int32)
    s1 = 1.0 / np.sqrt(NFEAT)
    W1 = jax.random.uniform(k4, (NFEAT, HIDDEN), dtype=jnp.float32, minval=-s1, maxval=s1)
    b1 = jax.random.uniform(k5, (HIDDEN,), dtype=jnp.float32, minval=-s1, maxval=s1)
    s2 = 1.0 / np.sqrt(HIDDEN)
    W2 = jax.random.uniform(k6, (HIDDEN, NCLASS), dtype=jnp.float32, minval=-s2, maxval=s2)
    b2 = jax.random.uniform(k7, (NCLASS,), dtype=jnp.float32, minval=-s2, maxval=s2)
    return {"x": x, "hop_feat": hop_feat, "idx": idx, "W1": W1, "b1": b1, "W2": W2, "b2": b2}


def reference(x, hop_feat, idx, W1, b1, W2, b2):
    # anchor embedding: gather + L2 normalize (F.normalize(x[idx], p=2, dim=1))
    xx_anchor = _l2_normalize(jnp.take(x, idx, axis=0), axis=1)
    # seq_emb = [anchor] + list(hop_feat)  -> stack along dim=1 -> [B, n_hops+1, d]
    seq_emb = jnp.concatenate([xx_anchor[:, None, :], jnp.transpose(hop_feat, (1, 0, 2))], axis=1)
    # AttenMlp: scaled dot-product attention, query=anchor, keys=values=seq_emb
    logits = jnp.einsum('bd,btd->bt', xx_anchor, seq_emb) / jnp.sqrt(jnp.float32(NFEAT))
    attn = jax.nn.softmax(logits, axis=1)
    output = jnp.einsum('bt,btd->bd', attn, seq_emb)
    # dropout is a no-op in eval mode (training=False)
    h = jax.nn.relu(output @ W1 + b1)
    out = h @ W2 + b2
    return jax.nn.log_softmax(out, axis=1)

if __name__ == "__main__":
    import jax
    _d = setup_inputs()
    print(jax.jit(kernel)(*tuple(_d.values())))

</pallas_src>

<mosaic_0001>
#map = affine_map<(d0, d1) -> (0, 0)>
#map1 = affine_map<(d0, d1) -> (0)>
module attributes {stable_mosaic.version = 14 : i64} {
  func.func @gather_kernel(%arg0: i32, %arg1: i32, %arg2: memref<100000x128xf32, #tpu.memory_space<hbm>>, %arg3: memref<51200xi32, #tpu.memory_space<hbm>>, %arg4: memref<51200x128xf32, #tpu.memory_space<hbm>>, %arg5: memref<1600xi32, #tpu.memory_space<vmem>>, %arg6: memref<2x400x128xf32, #tpu.memory_space<vmem>>, %arg7: memref<2x!tpu.dma_semaphore, #tpu.memory_space<semaphore_mem>>, %arg8: memref<2x!tpu.dma_semaphore, #tpu.memory_space<semaphore_mem>>) attributes {dimension_semantics = [#tpu.dimension_semantics<core_parallel>, #tpu.dimension_semantics<subcore_parallel>], iteration_bounds = array<i64: 2, 16>, scalar_prefetch = 0 : i64, scratch_operands = 4 : i64, tpu.core_type = #tpu.core_type<sc_vector_subcore>, window_params = [{transform_indices = #map}, {transform_indices = #map1}, {transform_indices = #map}]} {
    %mul3A = arith.constant 2 : i32
    %mul3A_0 = arith.muli %arg1, %mul3A : i32
    %add3A = arith.addi %mul3A_0, %arg0 : i32
    %mul3A_1 = arith.constant 1600 : i32
    %mul3A_2 = arith.muli %add3A, %mul3A_1 : i32
    "tpu.region"() ({
      %run_scoped3A = tpu.sem_alloc : memref<!tpu.dma_semaphore, #tpu.memory_space<semaphore_mem>>
      %dma_start3A_249 = tpu.memref_slice %arg3[%mul3A_2] : memref<51200xi32, #tpu.memory_space<hbm>> -> memref<1600xi32, #tpu.memory_space<hbm>>
      %dma_start3A_250 = tpu.memref_slice %arg3[%mul3A_2] : memref<51200xi32, #tpu.memory_space<hbm>> -> memref<1600xi32, #tpu.memory_space<hbm>>
      tpu.enqueue_dma source(%dma_start3A_250 : memref<1600xi32, #tpu.memory_space<hbm>>) target(%arg5 : memref<1600xi32, #tpu.memory_space<vmem>>) target_semaphore(%run_scoped3A : memref<!tpu.dma_semaphore, #tpu.memory_space<semaphore_mem>>)
      %dma_wait3A_251 = tpu.memref_slice %arg3[%mul3A_2] : memref<51200xi32, #tpu.memory_space<hbm>> -> memref<1600xi32, #tpu.memory_space<hbm>>
      %dma_wait3A_252 = tpu.memref_slice %arg3[%mul3A_2] : memref<51200xi32, #tpu.memory_space<hbm>> -> memref<1600xi32, #tpu.memory_space<hbm>>
      tpu.wait_dma2 semaphore(%run_scoped3A : memref<!tpu.dma_semaphore, #tpu.memory_space<semaphore_mem>>) src(%dma_wait3A_252 : memref<1600xi32, #tpu.memory_space<hbm>>) dst(%arg5 : memref<1600xi32, #tpu.memory_space<vmem>>)
      tpu.yield
    }) : () -> ()
    %dma_start3A = arith.constant 0 : i32
    %dma_start3A_3 = arith.constant 0 : i32
    %dma_start3A_4 = arith.constant 0 : i32
    %dma_start3A_5 = arith.constant 0 : i32
    %dma_start3A_6 = tpu.memref_slice %arg6[%dma_start3A, %dma_start3A_4, %dma_start3A_5] : memref<2x400x128xf32, #tpu.memory_space<vmem>> -> memref<1x400x128xf32, #tpu.memory_space<vmem>>
    %dma_start3A_7 = tpu.memref_squeeze %dma_start3A_6 : memref<1x400x128xf32, #tpu.memory_space<vmem>> -> memref<400x128xf32, #tpu.memory_space<vmem>>
    %dma_start3A_8 = arith.constant 0 : i32
    %dma_start3A_9 = tpu.memref_slice %arg5[%dma_start3A_8] : memref<1600xi32, #tpu.memory_space<vmem>> -> memref<400xi32, #tpu.memory_space<vmem>>
    %dma_start3A_10 = arith.constant 0 : i32
    %dma_start3A_11 = arith.constant 0 : i32
    %dma_start3A_12 = tpu.memref_slice %arg2[%dma_start3A_10, %dma_start3A_11] : memref<100000x128xf32, #tpu.memory_space<hbm>> -> memref<100000x128xf32, #tpu.memory_space<hbm>>
    %dma_start3A_13 = tpu.memref_slice %arg7[%dma_start3A_3] : memref<2x!tpu.dma_semaphore, #tpu.memory_space<semaphore_mem>> -> memref<1x!tpu.dma_semaphore, #tpu.memory_space<semaphore_mem>>
    %dma_start3A_14 = tpu.memref_squeeze %dma_start3A_13 : memref<1x!tpu.dma_semaphore, #tpu.memory_space<semaphore_mem>> -> memref<!tpu.dma_semaphore, #tpu.memory_space<semaphore_mem>>
    tpu.enqueue_indirect_dma source(%dma_start3A_12 : memref<100000x128xf32, #tpu.memory_space<hbm>>) target(%dma_start3A_7 : memref<400x128xf32, #tpu.memory_space<vmem>>) offsets(%dma_start3A_9 : memref<400xi32, #tpu.memory_space<vmem>>) semaphore(%dma_start3A_14 : memref<!tpu.dma_semaphore, #tpu.memory_space<semaphore_mem>>)
    %dma_wait3A = arith.constant 0 : i32
    %dma_wait3A_15 = arith.constant 0 : i32
    %dma_wait3A_16 = arith.constant 0 : i32
    %dma_wait3A_17 = arith.constant 0 : i32
    %dma_wait3A_18 = tpu.memref_slice %arg6[%dma_wait3A, %dma_wait3A_16, %dma_wait3A_17] : memref<2x400x128xf32, #tpu.memory_space<vmem>> -> memref<1x400x128xf32, #tpu.memory_space<vmem>>
    %dma_wait3A_19 = tpu.memref_squeeze %dma_wait3A_18 : memref<1x400x128xf32, #tpu.memory_space<vmem>> -> memref<400x128xf32, #tpu.memory_space<vmem>>
    %dma_wait3A_20 = arith.constant 0 : i32
    %dma_wait3A_21 = tpu.memref_slice %arg5[%dma_wait3A_20] : memref<1600xi32, #tpu.memory_space<vmem>> -> memref<400xi32, #tpu.memory_space<vmem>>
    %dma_wait3A_22 = arith.constant 0 : i32
    %dma_wait3A_23 = arith.constant 0 : i32
    %dma_wait3A_24 = tpu.memref_slice %arg2[%dma_wait3A_22, %dma_wait3A_23] : memref<100000x128xf32, #tpu.memory_space<hbm>> -> memref<100000x128xf32, #tpu.memory_space<hbm>>
    %dma_wait3A_25 = tpu.memref_slice %arg7[%dma_wait3A_15] : memref<2x!tpu.dma_semaphore, #tpu.memory_space<semaphore_mem>> -> memref<1x!tpu.dma_semaphore, #tpu.memory_space<semaphore_mem>>
    %dma_wait3A_26 = tpu.memref_squeeze %dma_wait3A_25 : memref<1x!tpu.dma_semaphore, #tpu.memory_space<semaphore_mem>> -> memref<!tpu.dma_semaphore, #tpu.memory_space<semaphore_mem>>
    tpu.wait_indirect_dma semaphore(%dma_wait3A_26 : memref<!tpu.dma_semaphore, #tpu.memory_space<semaphore_mem>>) src(%dma_wait3A_24 : memref<100000x128xf32, #tpu.memory_space<hbm>>) dst(%dma_wait3A_19 : memref<400x128xf32, #tpu.memory_space<vmem>>)
    %add3A_27 = arith.constant 0 : i32
    %add3A_28 = arith.addi %mul3A_2, %add3A_27 : i32
    %dma_start3A_29 = arith.constant 0 : i32
    %dma_start3A_30 = arith.constant 0 : i32
    %dma_start3A_31 = arith.constant 0 : i32
    %dma_start3A_32 = arith.constant 0 : i32
    %dma_start3A_33 = tpu.memref_slice %arg6[%dma_start3A_29, %dma_start3A_31, %dma_start3A_32] : memref<2x400x128xf32, #tpu.memory_space<vmem>> -> memref<1x400x128xf32, #tpu.memory_space<vmem>>
    %dma_start3A_34 = tpu.memref_squeeze %dma_start3A_33 : memref<1x400x128xf32, #tpu.memory_space<vmem>> -> memref<400x128xf32, #tpu.memory_space<vmem>>
    %dma_start3A_35 = arith.constant 0 : i32
    %dma_start3A_36 = tpu.memref_slice %arg4[%add3A_28, %dma_start3A_35] : memref<51200x128xf32, #tpu.memory_space<hbm>> -> memref<400x128xf32, #tpu.memory_space<hbm>>
    %dma_start3A_37 = tpu.memref_slice %arg8[%dma_start3A_30] : memref<2x!tpu.dma_semaphore, #tpu.memory_space<semaphore_mem>> -> memref<1x!tpu.dma_semaphore, #tpu.memory_space<semaphore_mem>>
    %dma_start3A_38 = tpu.memref_squeeze %dma_start3A_37 : memref<1x!tpu.dma_semaphore, #tpu.memory_space<semaphore_mem>> -> memref<!tpu.dma_semaphore, #tpu.memory_space<semaphore_mem>>
    %dma_start3A_39 = arith.constant 0 : i32
    %dma_start3A_40 = tpu.memref_slice %arg4[%add3A_28, %dma_start3A_39] : memref<51200x128xf32, #tpu.memory_space<hbm>> -> memref<400x128xf32, #tpu.memory_space<hbm>>
    %dma_start3A_41 = arith.constant 0 : i32
    %dma_start3A_42 = arith.constant 0 : i32
    %dma_start3A_43 = tpu.memref_slice %arg6[%dma_start3A_29, %dma_start3A_41, %dma_start3A_42] : memref<2x400x128xf32, #tpu.memory_space<vmem>> -> memref<1x400x128xf32, #tpu.memory_space<vmem>>
    %dma_start3A_44 = tpu.memref_squeeze %dma_start3A_43 : memref<1x400x128xf32, #tpu.memory_space<vmem>> -> memref<400x128xf32, #tpu.memory_space<vmem>>
    tpu.enqueue_dma source(%dma_start3A_44 : memref<400x128xf32, #tpu.memory_space<vmem>>) target(%dma_start3A_40 : memref<400x128xf32, #tpu.memory_space<hbm>>) target_semaphore(%dma_start3A_38 : memref<!tpu.dma_semaphore, #tpu.memory_space<semaphore_mem>>)
    %dma_start3A_45 = arith.constant 1 : i32
    %dma_start3A_46 = arith.constant 1 : i32
    %dma_start3A_47 = arith.constant 0 : i32
    %dma_start3A_48 = arith.constant 0 : i32
    %dma_start3A_49 = tpu.memref_slice %arg6[%dma_start3A_45, %dma_start3A_47, %dma_start3A_48] : memref<2x400x128xf32, #tpu.memory_space<vmem>> -> memref<1x400x128xf32, #tpu.memory_space<vmem>>
    %dma_start3A_50 = tpu.memref_squeeze %dma_start3A_49 : memref<1x400x128xf32, #tpu.memory_space<vmem>> -> memref<400x128xf32, #tpu.memory_space<vmem>>
    %dma_start3A_51 = arith.constant 400 : i32
    %dma_start3A_52 = tpu.memref_slice %arg5[%dma_start3A_51] : memref<1600xi32, #tpu.memory_space<vmem>> -> memref<400xi32, #tpu.memory_space<vmem>>
    %dma_start3A_53 = arith.constant 0 : i32
    %dma_start3A_54 = arith.constant 0 : i32
    %dma_start3A_55 = tpu.memref_slice %arg2[%dma_start3A_53, %dma_start3A_54] : memref<100000x128xf32, #tpu.memory_space<hbm>> -> memref<100000x128xf32, #tpu.memory_space<hbm>>
    %dma_start3A_56 = tpu.memref_slice %arg7[%dma_start3A_46] : memref<2x!tpu.dma_semaphore, #tpu.memory_space<semaphore_mem>> -> memref<1x!tpu.dma_semaphore, #tpu.memory_space<semaphore_mem>>
    %dma_start3A_57 = tpu.memref_squeeze %dma_start3A_56 : memref<1x!tpu.dma_semaphore, #tpu.memory_space<semaphore_mem>> -> memref<!tpu.dma_semaphore, #tpu.memory_space<semaphore_mem>>
    tpu.enqueue_indirect_dma source(%dma_start3A_55 : memref<100000x128xf32, #tpu.memory_space<hbm>>) target(%dma_start3A_50 : memref<400x128xf32, #tpu.memory_space<vmem>>) offsets(%dma_start3A_52 : memref<400xi32, #tpu.memory_space<vmem>>) semaphore(%dma_start3A_57 : memref<!tpu.dma_semaphore, #tpu.memory_space<semaphore_mem>>)
    %dma_wait3A_58 = arith.constant 1 : i32
    %dma_wait3A_59 = arith.constant 1 : i32
    %dma_wait3A_60 = arith.constant 0 : i32
    %dma_wait3A_61 = arith.constant 0 : i32
    %dma_wait3A_62 = tpu.memref_slice %arg6[%dma_wait3A_58, %dma_wait3A_60, %dma_wait3A_61] : memref<2x400x128xf32, #tpu.memory_space<vmem>> -> memref<1x400x128xf32, #tpu.memory_space<vmem>>
    %dma_wait3A_63 = tpu.memref_squeeze %dma_wait3A_62 : memref<1x400x128xf32, #tpu.memory_space<vmem>> -> memref<400x128xf32, #tpu.memory_space<vmem>>
    %dma_wait3A_64 = arith.constant 400 : i32
    %dma_wait3A_65 = tpu.memref_slice %arg5[%dma_wait3A_64] : memref<1600xi32, #tpu.memory_space<vmem>> -> memref<400xi32, #tpu.memory_space<vmem>>
    %dma_wait3A_66 = arith.constant 0 : i32
    %dma_wait3A_67 = arith.constant 0 : i32
    %dma_wait3A_68 = tpu.memref_slice %arg2[%dma_wait3A_66, %dma_wait3A_67] : memref<100000x128xf32, #tpu.memory_space<hbm>> -> memref<100000x128xf32, #tpu.memory_space<hbm>>
    %dma_wait3A_69 = tpu.memref_slice %arg7[%dma_wait3A_59] : memref<2x!tpu.dma_semaphore, #tpu.memory_space<semaphore_mem>> -> memref<1x!tpu.dma_semaphore, #tpu.memory_space<semaphore_mem>>
    %dma_wait3A_70 = tpu.memref_squeeze %dma_wait3A_69 : memref<1x!tpu.dma_semaphore, #tpu.memory_space<semaphore_mem>> -> memref<!tpu.dma_semaphore, #tpu.memory_space<semaphore_mem>>
    tpu.wait_indirect_dma semaphore(%dma_wait3A_70 : memref<!tpu.dma_semaphore, #tpu.memory_space<semaphore_mem>>) src(%dma_wait3A_68 : memref<100000x128xf32, #tpu.memory_space<hbm>>) dst(%dma_wait3A_63 : memref<400x128xf32, #tpu.memory_space<vmem>>)
    %add3A_71 = arith.constant 400 : i32
    %add3A_72 = arith.addi %mul3A_2, %add3A_71 : i32
    %dma_start3A_73 = arith.constant 1 : i32
    %dma_start3A_74 = arith.constant 1 : i32
    %dma_start3A_75 = arith.constant 0 : i32
    %dma_start3A_76 = arith.constant 0 : i32
    %dma_start3A_77 = tpu.memref_slice %arg6[%dma_start3A_73, %dma_start3A_75, %dma_start3A_76] : memref<2x400x128xf32, #tpu.memory_space<vmem>> -> memref<1x400x128xf32, #tpu.memory_space<vmem>>
    %dma_start3A_78 = tpu.memref_squeeze %dma_start3A_77 : memref<1x400x128xf32, #tpu.memory_space<vmem>> -> memref<400x128xf32, #tpu.memory_space<vmem>>
    %dma_start3A_79 = arith.constant 0 : i32
    %dma_start3A_80 = tpu.memref_slice %arg4[%add3A_72, %dma_start3A_79] : memref<51200x128xf32, #tpu.memory_space<hbm>> -> memref<400x128xf32, #tpu.memory_space<hbm>>
    %dma_start3A_81 = tpu.memref_slice %arg8[%dma_start3A_74] : memref<2x!tpu.dma_semaphore, #tpu.memory_space<semaphore_mem>> -> memref<1x!tpu.dma_semaphore, #tpu.memory_space<semaphore_mem>>
    %dma_start3A_82 = tpu.memref_squeeze %dma_start3A_81 : memref<1x!tpu.dma_semaphore, #tpu.memory_space<semaphore_mem>> -> memref<!tpu.dma_semaphore, #tpu.memory_space<semaphore_mem>>
    %dma_start3A_83 = arith.constant 0 : i32
    %dma_start3A_84 = tpu.memref_slice %arg4[%add3A_72, %dma_start3A_83] : memref<51200x128xf32, #tpu.memory_space<hbm>> -> memref<400x128xf32, #tpu.memory_space<hbm>>
    %dma_start3A_85 = arith.constant 0 : i32
    %dma_start3A_86 = arith.constant 0 : i32
    %dma_start3A_87 = tpu.memref_slice %arg6[%dma_start3A_73, %dma_start3A_85, %dma_start3A_86] : memref<2x400x128xf32, #tpu.memory_space<vmem>> -> memref<1x400x128xf32, #tpu.memory_space<vmem>>
    %dma_start3A_88 = tpu.memref_squeeze %dma_start3A_87 : memref<1x400x128xf32, #tpu.memory_space<vmem>> -> memref<400x128xf32, #tpu.memory_space<vmem>>
    tpu.enqueue_dma source(%dma_start3A_88 : memref<400x128xf32, #tpu.memory_space<vmem>>) target(%dma_start3A_84 : memref<400x128xf32, #tpu.memory_space<hbm>>) target_semaphore(%dma_start3A_82 : memref<!tpu.dma_semaphore, #tpu.memory_space<semaphore_mem>>)
    %add3A_89 = arith.constant 0 : i32
    %add3A_90 = arith.addi %mul3A_2, %add3A_89 : i32
    %dma_wait3A_91 = arith.constant 0 : i32
    %dma_wait3A_92 = arith.constant 0 : i32
    %dma_wait3A_93 = arith.constant 0 : i32
    %dma_wait3A_94 = arith.constant 0 : i32
    %dma_wait3A_95 = tpu.memref_slice %arg6[%dma_wait3A_91, %dma_wait3A_93, %dma_wait3A_94] : memref<2x400x128xf32, #tpu.memory_space<vmem>> -> memref<1x400x128xf32, #tpu.memory_space<vmem>>
    %dma_wait3A_96 = tpu.memref_squeeze %dma_wait3A_95 : memref<1x400x128xf32, #tpu.memory_space<vmem>> -> memref<400x128xf32, #tpu.memory_space<vmem>>
    %dma_wait3A_97 = arith.constant 0 : i32
    %dma_wait3A_98 = tpu.memref_slice %arg4[%add3A_90, %dma_wait3A_97] : memref<51200x128xf32, #tpu.memory_space<hbm>> -> memref<400x128xf32, #tpu.memory_space<hbm>>
    %dma_wait3A_99 = tpu.memref_slice %arg8[%dma_wait3A_92] : memref<2x!tpu.dma_semaphore, #tpu.memory_space<semaphore_mem>> -> memref<1x!tpu.dma_semaphore, #tpu.memory_space<semaphore_mem>>
    %dma_wait3A_100 = tpu.memref_squeeze %dma_wait3A_99 : memref<1x!tpu.dma_semaphore, #tpu.memory_space<semaphore_mem>> -> memref<!tpu.dma_semaphore, #tpu.memory_space<semaphore_mem>>
    %dma_wait3A_101 = arith.constant 0 : i32
    %dma_wait3A_102 = tpu.memref_slice %arg4[%add3A_90, %dma_wait3A_101] : memref<51200x128xf32, #tpu.memory_space<hbm>> -> memref<400x128xf32, #tpu.memory_space<hbm>>
    %dma_wait3A_103 = arith.constant 0 : i32
    %dma_wait3A_104 = arith.constant 0 : i32
    %dma_wait3A_105 = tpu.memref_slice %arg6[%dma_wait3A_91, %dma_wait3A_103, %dma_wait3A_104] : memref<2x400x128xf32, #tpu.memory_space<vmem>> -> memref<1x400x128xf32, #tpu.memory_space<vmem>>
    %dma_wait3A_106 = tpu.memref_squeeze %dma_wait3A_105 : memref<1x400x128xf32, #tpu.memory_space<vmem>> -> memref<400x128xf32, #tpu.memory_space<vmem>>
    tpu.wait_dma2 semaphore(%dma_wait3A_100 : memref<!tpu.dma_semaphore, #tpu.memory_space<semaphore_mem>>) src(%dma_wait3A_106 : memref<400x128xf32, #tpu.memory_space<vmem>>) dst(%dma_wait3A_102 : memref<400x128xf32, #tpu.memory_space<hbm>>)
    %dma_start3A_107 = arith.constant 0 : i32
    %dma_start3A_108 = arith.constant 0 : i32
    %dma_start3A_109 = arith.constant 0 : i32
    %dma_start3A_110 = arith.constant 0 : i32
    %dma_start3A_111 = tpu.memref_slice %arg6[%dma_start3A_107, %dma_start3A_109, %dma_start3A_110] : memref<2x400x128xf32, #tpu.memory_space<vmem>> -> memref<1x400x128xf32, #tpu.memory_space<vmem>>
    %dma_start3A_112 = tpu.memref_squeeze %dma_start3A_111 : memref<1x400x128xf32, #tpu.memory_space<vmem>> -> memref<400x128xf32, #tpu.memory_space<vmem>>
    %dma_start3A_113 = arith.constant 800 : i32
    %dma_start3A_114 = tpu.memref_slice %arg5[%dma_start3A_113] : memref<1600xi32, #tpu.memory_space<vmem>> -> memref<400xi32, #tpu.memory_space<vmem>>
    %dma_start3A_115 = arith.constant 0 : i32
    %dma_start3A_116 = arith.constant 0 : i32
    %dma_start3A_117 = tpu.memref_slice %arg2[%dma_start3A_115, %dma_start3A_116] : memref<100000x128xf32, #tpu.memory_space<hbm>> -> memref<100000x128xf32, #tpu.memory_space<hbm>>
    %dma_start3A_118 = tpu.memref_slice %arg7[%dma_start3A_108] : memref<2x!tpu.dma_semaphore, #tpu.memory_space<semaphore_mem>> -> memref<1x!tpu.dma_semaphore, #tpu.memory_space<semaphore_mem>>
    %dma_start3A_119 = tpu.memref_squeeze %dma_start3A_118 : memref<1x!tpu.dma_semaphore, #tpu.memory_space<semaphore_mem>> -> memref<!tpu.dma_semaphore, #tpu.memory_space<semaphore_mem>>
    tpu.enqueue_indirect_dma source(%dma_start3A_117 : memref<100000x128xf32, #tpu.memory_space<hbm>>) target(%dma_start3A_112 : memref<400x128xf32, #tpu.memory_space<vmem>>) offsets(%dma_start3A_114 : memref<400xi32, #tpu.memory_space<vmem>>) semaphore(%dma_start3A_119 : memref<!tpu.dma_semaphore, #tpu.memory_space<semaphore_mem>>)
    %dma_wait3A_120 = arith.constant 0 : i32
    %dma_wait3A_121 = arith.constant 0 : i32
    %dma_wait3A_122 = arith.constant 0 : i32
    %dma_wait3A_123 = arith.constant 0 : i32
    %dma_wait3A_124 = tpu.memref_slice %arg6[%dma_wait3A_120, %dma_wait3A_122, %dma_wait3A_123] : memref<2x400x128xf32, #tpu.memory_space<vmem>> -> memref<1x400x128xf32, #tpu.memory_space<vmem>>
    %dma_wait3A_125 = tpu.memref_squeeze %dma_wait3A_124 : memref<1x400x128xf32, #tpu.memory_space<vmem>> -> memref<400x128xf32, #tpu.memory_space<vmem>>
    %dma_wait3A_126 = arith.constant 800 : i32
    %dma_wait3A_127 = tpu.memref_slice %arg5[%dma_wait3A_126] : memref<1600xi32, #tpu.memory_space<vmem>> -> memref<400xi32, #tpu.memory_space<vmem>>
    %dma_wait3A_128 = arith.constant 0 : i32
    %dma_wait3A_129 = arith.constant 0 : i32
    %dma_wait3A_130 = tpu.memref_slice %arg2[%dma_wait3A_128, %dma_wait3A_129] : memref<100000x128xf32, #tpu.memory_space<hbm>> -> memref<100000x128xf32, #tpu.memory_space<hbm>>
    %dma_wait3A_131 = tpu.memref_slice %arg7[%dma_wait3A_121] : memref<2x!tpu.dma_semaphore, #tpu.memory_space<semaphore_mem>> -> memref<1x!tpu.dma_semaphore, #tpu.memory_space<semaphore_mem>>
    %dma_wait3A_132 = tpu.memref_squeeze %dma_wait3A_131 : memref<1x!tpu.dma_semaphore, #tpu.memory_space<semaphore_mem>> -> memref<!tpu.dma_semaphore, #tpu.memory_space<semaphore_mem>>
    tpu.wait_indirect_dma semaphore(%dma_wait3A_132 : memref<!tpu.dma_semaphore, #tpu.memory_space<semaphore_mem>>) src(%dma_wait3A_130 : memref<100000x128xf32, #tpu.memory_space<hbm>>) dst(%dma_wait3A_125 : memref<400x128xf32, #tpu.memory_space<vmem>>)
    %add3A_133 = arith.constant 800 : i32
    %add3A_134 = arith.addi %mul3A_2, %add3A_133 : i32
    %dma_start3A_135 = arith.constant 0 : i32
    %dma_start3A_136 = arith.constant 0 : i32
    %dma_start3A_137 = arith.constant 0 : i32
    %dma_start3A_138 = arith.constant 0 : i32
    %dma_start3A_139 = tpu.memref_slice %arg6[%dma_start3A_135, %dma_start3A_137, %dma_start3A_138] : memref<2x400x128xf32, #tpu.memory_space<vmem>> -> memref<1x400x128xf32, #tpu.memory_space<vmem>>
    %dma_start3A_140 = tpu.memref_squeeze %dma_start3A_139 : memref<1x400x128xf32, #tpu.memory_space<vmem>> -> memref<400x128xf32, #tpu.memory_space<vmem>>
    %dma_start3A_141 = arith.constant 0 : i32
    %dma_start3A_142 = tpu.memref_slice %arg4[%add3A_134, %dma_start3A_141] : memref<51200x128xf32, #tpu.memory_space<hbm>> -> memref<400x128xf32, #tpu.memory_space<hbm>>
    %dma_start3A_143 = tpu.memref_slice %arg8[%dma_start3A_136] : memref<2x!tpu.dma_semaphore, #tpu.memory_space<semaphore_mem>> -> memref<1x!tpu.dma_semaphore, #tpu.memory_space<semaphore_mem>>
    %dma_start3A_144 = tpu.memref_squeeze %dma_start3A_143 : memref<1x!tpu.dma_semaphore, #tpu.memory_space<semaphore_mem>> -> memref<!tpu.dma_semaphore, #tpu.memory_space<semaphore_mem>>
    %dma_start3A_145 = arith.constant 0 : i32
    %dma_start3A_146 = tpu.memref_slice %arg4[%add3A_134, %dma_start3A_145] : memref<51200x128xf32, #tpu.memory_space<hbm>> -> memref<400x128xf32, #tpu.memory_space<hbm>>
    %dma_start3A_147 = arith.constant 0 : i32
    %dma_start3A_148 = arith.constant 0 : i32
    %dma_start3A_149 = tpu.memref_slice %arg6[%dma_start3A_135, %dma_start3A_147, %dma_start3A_148] : memref<2x400x128xf32, #tpu.memory_space<vmem>> -> memref<1x400x128xf32, #tpu.memory_space<vmem>>
    %dma_start3A_150 = tpu.memref_squeeze %dma_start3A_149 : memref<1x400x128xf32, #tpu.memory_space<vmem>> -> memref<400x128xf32, #tpu.memory_space<vmem>>
    tpu.enqueue_dma source(%dma_start3A_150 : memref<400x128xf32, #tpu.memory_space<vmem>>) target(%dma_start3A_146 : memref<400x128xf32, #tpu.memory_space<hbm>>) target_semaphore(%dma_start3A_144 : memref<!tpu.dma_semaphore, #tpu.memory_space<semaphore_mem>>)
    %add3A_151 = arith.constant 400 : i32
    %add3A_152 = arith.addi %mul3A_2, %add3A_151 : i32
    %dma_wait3A_153 = arith.constant 1 : i32
    %dma_wait3A_154 = arith.constant 1 : i32
    %dma_wait3A_155 = arith.constant 0 : i32
    %dma_wait3A_156 = arith.constant 0 : i32
    %dma_wait3A_157 = tpu.memref_slice %arg6[%dma_wait3A_153, %dma_wait3A_155, %dma_wait3A_156] : memref<2x400x128xf32, #tpu.memory_space<vmem>> -> memref<1x400x128xf32, #tpu.memory_space<vmem>>
    %dma_wait3A_158 = tpu.memref_squeeze %dma_wait3A_157 : memref<1x400x128xf32, #tpu.memory_space<vmem>> -> memref<400x128xf32, #tpu.memory_space<vmem>>
    %dma_wait3A_159 = arith.constant 0 : i32
    %dma_wait3A_160 = tpu.memref_slice %arg4[%add3A_152, %dma_wait3A_159] : memref<51200x128xf32, #tpu.memory_space<hbm>> -> memref<400x128xf32, #tpu.memory_space<hbm>>
    %dma_wait3A_161 = tpu.memref_slice %arg8[%dma_wait3A_154] : memref<2x!tpu.dma_semaphore, #tpu.memory_space<semaphore_mem>> -> memref<1x!tpu.dma_semaphore, #tpu.memory_space<semaphore_mem>>
    %dma_wait3A_162 = tpu.memref_squeeze %dma_wait3A_161 : memref<1x!tpu.dma_semaphore, #tpu.memory_space<semaphore_mem>> -> memref<!tpu.dma_semaphore, #tpu.memory_space<semaphore_mem>>
    %dma_wait3A_163 = arith.constant 0 : i32
    %dma_wait3A_164 = tpu.memref_slice %arg4[%add3A_152, %dma_wait3A_163] : memref<51200x128xf32, #tpu.memory_space<hbm>> -> memref<400x128xf32, #tpu.memory_space<hbm>>
    %dma_wait3A_165 = arith.constant 0 : i32
    %dma_wait3A_166 = arith.constant 0 : i32
    %dma_wait3A_167 = tpu.memref_slice %arg6[%dma_wait3A_153, %dma_wait3A_165, %dma_wait3A_166] : memref<2x400x128xf32, #tpu.memory_space<vmem>> -> memref<1x400x128xf32, #tpu.memory_space<vmem>>
    %dma_wait3A_168 = tpu.memref_squeeze %dma_wait3A_167 : memref<1x400x128xf32, #tpu.memory_space<vmem>> -> memref<400x128xf32, #tpu.memory_space<vmem>>
    tpu.wait_dma2 semaphore(%dma_wait3A_162 : memref<!tpu.dma_semaphore, #tpu.memory_space<semaphore_mem>>) src(%dma_wait3A_168 : memref<400x128xf32, #tpu.memory_space<vmem>>) dst(%dma_wait3A_164 : memref<400x128xf32, #tpu.memory_space<hbm>>)
    %dma_start3A_169 = arith.constant 1 : i32
    %dma_start3A_170 = arith.constant 1 : i32
    %dma_start3A_171 = arith.constant 0 : i32
    %dma_start3A_172 = arith.constant 0 : i32
    %dma_start3A_173 = tpu.memref_slice %arg6[%dma_start3A_169, %dma_start3A_171, %dma_start3A_172] : memref<2x400x128xf32, #tpu.memory_space<vmem>> -> memref<1x400x128xf32, #tpu.memory_space<vmem>>
    %dma_start3A_174 = tpu.memref_squeeze %dma_start3A_173 : memref<1x400x128xf32, #tpu.memory_space<vmem>> -> memref<400x128xf32, #tpu.memory_space<vmem>>
    %dma_start3A_175 = arith.constant 1200 : i32
    %dma_start3A_176 = tpu.memref_slice %arg5[%dma_start3A_175] : memref<1600xi32, #tpu.memory_space<vmem>> -> memref<400xi32, #tpu.memory_space<vmem>>
    %dma_start3A_177 = arith.constant 0 : i32
    %dma_start3A_178 = arith.constant 0 : i32
    %dma_start3A_179 = tpu.memref_slice %arg2[%dma_start3A_177, %dma_start3A_178] : memref<100000x128xf32, #tpu.memory_space<hbm>> -> memref<100000x128xf32, #tpu.memory_space<hbm>>
    %dma_start3A_180 = tpu.memref_slice %arg7[%dma_start3A_170] : memref<2x!tpu.dma_semaphore, #tpu.memory_space<semaphore_mem>> -> memref<1x!tpu.dma_semaphore, #tpu.memory_space<semaphore_mem>>
    %dma_start3A_181 = tpu.memref_squeeze %dma_start3A_180 : memref<1x!tpu.dma_semaphore, #tpu.memory_space<semaphore_mem>> -> memref<!tpu.dma_semaphore, #tpu.memory_space<semaphore_mem>>
    tpu.enqueue_indirect_dma source(%dma_start3A_179 : memref<100000x128xf32, #tpu.memory_space<hbm>>) target(%dma_start3A_174 : memref<400x128xf32, #tpu.memory_space<vmem>>) offsets(%dma_start3A_176 : memref<400xi32, #tpu.memory_space<vmem>>) semaphore(%dma_start3A_181 : memref<!tpu.dma_semaphore, #tpu.memory_space<semaphore_mem>>)
    %dma_wait3A_182 = arith.constant 1 : i32
    %dma_wait3A_183 = arith.constant 1 : i32
    %dma_wait3A_184 = arith.constant 0 : i32
    %dma_wait3A_185 = arith.constant 0 : i32
    %dma_wait3A_186 = tpu.memref_slice %arg6[%dma_wait3A_182, %dma_wait3A_184, %dma_wait3A_185] : memref<2x400x128xf32, #tpu.memory_space<vmem>> -> memref<1x400x128xf32, #tpu.memory_space<vmem>>
    %dma_wait3A_187 = tpu.memref_squeeze %dma_wait3A_186 : memref<1x400x128xf32, #tpu.memory_space<vmem>> -> memref<400x128xf32, #tpu.memory_space<vmem>>
    %dma_wait3A_188 = arith.constant 1200 : i32
    %dma_wait3A_189 = tpu.memref_slice %arg5[%dma_wait3A_188] : memref<1600xi32, #tpu.memory_space<vmem>> -> memref<400xi32, #tpu.memory_space<vmem>>
    %dma_wait3A_190 = arith.constant 0 : i32
    %dma_wait3A_191 = arith.constant 0 : i32
    %dma_wait3A_192 = tpu.memref_slice %arg2[%dma_wait3A_190, %dma_wait3A_191] : memref<100000x128xf32, #tpu.memory_space<hbm>> -> memref<100000x128xf32, #tpu.memory_space<hbm>>
    %dma_wait3A_193 = tpu.memref_slice %arg7[%dma_wait3A_183] : memref<2x!tpu.dma_semaphore, #tpu.memory_space<semaphore_mem>> -> memref<1x!tpu.dma_semaphore, #tpu.memory_space<semaphore_mem>>
    %dma_wait3A_194 = tpu.memref_squeeze %dma_wait3A_193 : memref<1x!tpu.dma_semaphore, #tpu.memory_space<semaphore_mem>> -> memref<!tpu.dma_semaphore, #tpu.memory_space<semaphore_mem>>
    tpu.wait_indirect_dma semaphore(%dma_wait3A_194 : memref<!tpu.dma_semaphore, #tpu.memory_space<semaphore_mem>>) src(%dma_wait3A_192 : memref<100000x128xf32, #tpu.memory_space<hbm>>) dst(%dma_wait3A_187 : memref<400x128xf32, #tpu.memory_space<vmem>>)
    %add3A_195 = arith.constant 1200 : i32
    %add3A_196 = arith.addi %mul3A_2, %add3A_195 : i32
    %dma_start3A_197 = arith.constant 1 : i32
    %dma_start3A_198 = arith.constant 1 : i32
    %dma_start3A_199 = arith.constant 0 : i32
    %dma_start3A_200 = arith.constant 0 : i32
    %dma_start3A_201 = tpu.memref_slice %arg6[%dma_start3A_197, %dma_start3A_199, %dma_start3A_200] : memref<2x400x128xf32, #tpu.memory_space<vmem>> -> memref<1x400x128xf32, #tpu.memory_space<vmem>>
    %dma_start3A_202 = tpu.memref_squeeze %dma_start3A_201 : memref<1x400x128xf32, #tpu.memory_space<vmem>> -> memref<400x128xf32, #tpu.memory_space<vmem>>
    %dma_start3A_203 = arith.constant 0 : i32
    %dma_start3A_204 = tpu.memref_slice %arg4[%add3A_196, %dma_start3A_203] : memref<51200x128xf32, #tpu.memory_space<hbm>> -> memref<400x128xf32, #tpu.memory_space<hbm>>
    %dma_start3A_205 = tpu.memref_slice %arg8[%dma_start3A_198] : memref<2x!tpu.dma_semaphore, #tpu.memory_space<semaphore_mem>> -> memref<1x!tpu.dma_semaphore, #tpu.memory_space<semaphore_mem>>
    %dma_start3A_206 = tpu.memref_squeeze %dma_start3A_205 : memref<1x!tpu.dma_semaphore, #tpu.memory_space<semaphore_mem>> -> memref<!tpu.dma_semaphore, #tpu.memory_space<semaphore_mem>>
    %dma_start3A_207 = arith.constant 0 : i32
    %dma_start3A_208 = tpu.memref_slice %arg4[%add3A_196, %dma_start3A_207] : memref<51200x128xf32, #tpu.memory_space<hbm>> -> memref<400x128xf32, #tpu.memory_space<hbm>>
    %dma_start3A_209 = arith.constant 0 : i32
    %dma_start3A_210 = arith.constant 0 : i32
    %dma_start3A_211 = tpu.memref_slice %arg6[%dma_start3A_197, %dma_start3A_209, %dma_start3A_210] : memref<2x400x128xf32, #tpu.memory_space<vmem>> -> memref<1x400x128xf32, #tpu.memory_space<vmem>>
    %dma_start3A_212 = tpu.memref_squeeze %dma_start3A_211 : memref<1x400x128xf32, #tpu.memory_space<vmem>> -> memref<400x128xf32, #tpu.memory_space<vmem>>
    tpu.enqueue_dma source(%dma_start3A_212 : memref<400x128xf32, #tpu.memory_space<vmem>>) target(%dma_start3A_208 : memref<400x128xf32, #tpu.memory_space<hbm>>) target_semaphore(%dma_start3A_206 : memref<!tpu.dma_semaphore, #tpu.memory_space<semaphore_mem>>)
    %add3A_213 = arith.constant 800 : i32
    %add3A_214 = arith.addi %mul3A_2, %add3A_213 : i32
    %dma_wait3A_215 = arith.constant 0 : i32
    %dma_wait3A_216 = arith.constant 0 : i32
    %dma_wait3A_217 = arith.constant 0 : i32
    %dma_wait3A_218 = arith.constant 0 : i32
    %dma_wait3A_219 = tpu.memref_slice %arg6[%dma_wait3A_215, %dma_wait3A_217, %dma_wait3A_218] : memref<2x400x128xf32, #tpu.memory_space<vmem>> -> memref<1x400x128xf32, #tpu.memory_space<vmem>>
    %dma_wait3A_220 = tpu.memref_squeeze %dma_wait3A_219 : memref<1x400x128xf32, #tpu.memory_space<vmem>> -> memref<400x128xf32, #tpu.memory_space<vmem>>
    %dma_wait3A_221 = arith.constant 0 : i32
    %dma_wait3A_222 = tpu.memref_slice %arg4[%add3A_214, %dma_wait3A_221] : memref<51200x128xf32, #tpu.memory_space<hbm>> -> memref<400x128xf32, #tpu.memory_space<hbm>>
    %dma_wait3A_223 = tpu.memref_slice %arg8[%dma_wait3A_216] : memref<2x!tpu.dma_semaphore, #tpu.memory_space<semaphore_mem>> -> memref<1x!tpu.dma_semaphore, #tpu.memory_space<semaphore_mem>>
    %dma_wait3A_224 = tpu.memref_squeeze %dma_wait3A_223 : memref<1x!tpu.dma_semaphore, #tpu.memory_space<semaphore_mem>> -> memref<!tpu.dma_semaphore, #tpu.memory_space<semaphore_mem>>
    %dma_wait3A_225 = arith.constant 0 : i32
    %dma_wait3A_226 = tpu.memref_slice %arg4[%add3A_214, %dma_wait3A_225] : memref<51200x128xf32, #tpu.memory_space<hbm>> -> memref<400x128xf32, #tpu.memory_space<hbm>>
    %dma_wait3A_227 = arith.constant 0 : i32
    %dma_wait3A_228 = arith.constant 0 : i32
    %dma_wait3A_229 = tpu.memref_slice %arg6[%dma_wait3A_215, %dma_wait3A_227, %dma_wait3A_228] : memref<2x400x128xf32, #tpu.memory_space<vmem>> -> memref<1x400x128xf32, #tpu.memory_space<vmem>>
    %dma_wait3A_230 = tpu.memref_squeeze %dma_wait3A_229 : memref<1x400x128xf32, #tpu.memory_space<vmem>> -> memref<400x128xf32, #tpu.memory_space<vmem>>
    tpu.wait_dma2 semaphore(%dma_wait3A_224 : memref<!tpu.dma_semaphore, #tpu.memory_space<semaphore_mem>>) src(%dma_wait3A_230 : memref<400x128xf32, #tpu.memory_space<vmem>>) dst(%dma_wait3A_226 : memref<400x128xf32, #tpu.memory_space<hbm>>)
    %add3A_231 = arith.constant 1200 : i32
    %add3A_232 = arith.addi %mul3A_2, %add3A_231 : i32
    %dma_wait3A_233 = arith.constant 1 : i32
    %dma_wait3A_234 = arith.constant 1 : i32
    %dma_wait3A_235 = arith.constant 0 : i32
    %dma_wait3A_236 = arith.constant 0 : i32
    %dma_wait3A_237 = tpu.memref_slice %arg6[%dma_wait3A_233, %dma_wait3A_235, %dma_wait3A_236] : memref<2x400x128xf32, #tpu.memory_space<vmem>> -> memref<1x400x128xf32, #tpu.memory_space<vmem>>
    %dma_wait3A_238 = tpu.memref_squeeze %dma_wait3A_237 : memref<1x400x128xf32, #tpu.memory_space<vmem>> -> memref<400x128xf32, #tpu.memory_space<vmem>>
    %dma_wait3A_239 = arith.constant 0 : i32
    %dma_wait3A_240 = tpu.memref_slice %arg4[%add3A_232, %dma_wait3A_239] : memref<51200x128xf32, #tpu.memory_space<hbm>> -> memref<400x128xf32, #tpu.memory_space<hbm>>
    %dma_wait3A_241 = tpu.memref_slice %arg8[%dma_wait3A_234] : memref<2x!tpu.dma_semaphore, #tpu.memory_space<semaphore_mem>> -> memref<1x!tpu.dma_semaphore, #tpu.memory_space<semaphore_mem>>
    %dma_wait3A_242 = tpu.memref_squeeze %dma_wait3A_241 : memref<1x!tpu.dma_semaphore, #tpu.memory_space<semaphore_mem>> -> memref<!tpu.dma_semaphore, #tpu.memory_space<semaphore_mem>>
    %dma_wait3A_243 = arith.constant 0 : i32
    %dma_wait3A_244 = tpu.memref_slice %arg4[%add3A_232, %dma_wait3A_243] : memref<51200x128xf32, #tpu.memory_space<hbm>> -> memref<400x128xf32, #tpu.memory_space<hbm>>
    %dma_wait3A_245 = arith.constant 0 : i32
    %dma_wait3A_246 = arith.constant 0 : i32
    %dma_wait3A_247 = tpu.memref_slice %arg6[%dma_wait3A_233, %dma_wait3A_245, %dma_wait3A_246] : memref<2x400x128xf32, #tpu.memory_space<vmem>> -> memref<1x400x128xf32, #tpu.memory_space<vmem>>
    %dma_wait3A_248 = tpu.memref_squeeze %dma_wait3A_247 : memref<1x400x128xf32, #tpu.memory_space<vmem>> -> memref<400x128xf32, #tpu.memory_space<vmem>>
    tpu.wait_dma2 semaphore(%dma_wait3A_242 : memref<!tpu.dma_semaphore, #tpu.memory_space<semaphore_mem>>) src(%dma_wait3A_248 : memref<400x128xf32, #tpu.memory_space<vmem>>) dst(%dma_wait3A_244 : memref<400x128xf32, #tpu.memory_space<hbm>>)
    return
  }
}

#map = affine_map<(d0, d1) -> (0, 0)>
#map1 = affine_map<(d0, d1) -> (0)>
module attributes {stable_mosaic.version = 14 : i64} {
  func.func @gather_kernel(%arg0: i32, %arg1: i32, %arg2: memref<100000x128xf32, #tpu.memory_space<hbm>>, %arg3: memref<51200xi32, #tpu.memory_space<hbm>>, %arg4: memref<51200x128xf32, #tpu.memory_space<hbm>>, %arg5: memref<1600xi32, #tpu.memory_space<vmem>>, %arg6: memref<2x400x128xf32, #tpu.memory_space<vmem>>, %arg7: memref<2x!tpu.dma_semaphore, #tpu.memory_space<semaphore_mem>>, %arg8: memref<2x!tpu.dma_semaphore, #tpu.memory_space<semaphore_mem>>) attributes {dimension_semantics = [#tpu.dimension_semantics<core_parallel>, #tpu.dimension_semantics<subcore_parallel>], iteration_bounds = array<i64: 2, 16>, scalar_prefetch = 0 : i64, scratch_operands = 4 : i64, tpu.core_type = #tpu.core_type<sc_vector_subcore>, window_params = [{transform_indices = #map}, {transform_indices = #map1}, {transform_indices = #map}]} {
    %mul3A = arith.constant 2 : i32
    %mul3A_0 = arith.muli %arg1, %mul3A : i32
    %add3A = arith.addi %mul3A_0, %arg0 : i32
    %mul3A_1 = arith.constant 1600 : i32
    %mul3A_2 = arith.muli %add3A, %mul3A_1 : i32
    "tpu.region"() ({
      %run_scoped3A = tpu.sem_alloc : memref<!tpu.dma_semaphore, #tpu.memory_space<semaphore_mem>>
      %dma_start3A_249 = tpu.memref_slice %arg3[%mul3A_2] : memref<51200xi32, #tpu.memory_space<hbm>> -> memref<1600xi32, #tpu.memory_space<hbm>>
      %dma_start3A_250 = tpu.memref_slice %arg3[%mul3A_2] : memref<51200xi32, #tpu.memory_space<hbm>> -> memref<1600xi32, #tpu.memory_space<hbm>>
      tpu.enqueue_dma source(%dma_start3A_250 : memref<1600xi32, #tpu.memory_space<hbm>>) target(%arg5 : memref<1600xi32, #tpu.memory_space<vmem>>) target_semaphore(%run_scoped3A : memref<!tpu.dma_semaphore, #tpu.memory_space<semaphore_mem>>)
      %dma_wait3A_251 = tpu.memref_slice %arg3[%mul3A_2] : memref<51200xi32, #tpu.memory_space<hbm>> -> memref<1600xi32, #tpu.memory_space<hbm>>
      %dma_wait3A_252 = tpu.memref_slice %arg3[%mul3A_2] : memref<51200xi32, #tpu.memory_space<hbm>> -> memref<1600xi32, #tpu.memory_space<hbm>>
      tpu.wait_dma2 semaphore(%run_scoped3A : memref<!tpu.dma_semaphore, #tpu.memory_space<semaphore_mem>>) src(%dma_wait3A_252 : memref<1600xi32, #tpu.memory_space<hbm>>) dst(%arg5 : memref<1600xi32, #tpu.memory_space<vmem>>)
      tpu.yield
    }) : () -> ()
    %dma_start3A = arith.constant 0 : i32
    %dma_start3A_3 = arith.constant 0 : i32
    %dma_start3A_4 = arith.constant 0 : i32
    %dma_start3A_5 = arith.constant 0 : i32
    %dma_start3A_6 = tpu.memref_slice %arg6[%dma_start3A, %dma_start3A_4, %dma_start3A_5] : memref<2x400x128xf32, #tpu.memory_space<vmem>> -> memref<1x400x128xf32, #tpu.memory_space<vmem>>
    %dma_start3A_7 = tpu.memref_squeeze %dma_start3A_6 : memref<1x400x128xf32, #tpu.memory_space<vmem>> -> memref<400x128xf32, #tpu.memory_space<vmem>>
    %dma_start3A_8 = arith.constant 0 : i32
    %dma_start3A_9 = tpu.memref_slice %arg5[%dma_start3A_8] : memref<1600xi32, #tpu.memory_space<vmem>> -> memref<400xi32, #tpu.memory_space<vmem>>
    %dma_start3A_10 = arith.constant 0 : i32
    %dma_start3A_11 = arith.constant 0 : i32
    %dma_start3A_12 = tpu.memref_slice %arg2[%dma_start3A_10, %dma_start3A_11] : memref<100000x128xf32, #tpu.memory_space<hbm>> -> memref<100000x128xf32, #tpu.memory_space<hbm>>
    %dma_start3A_13 = tpu.memref_slice %arg7[%dma_start3A_3] : memref<2x!tpu.dma_semaphore, #tpu.memory_space<semaphore_mem>> -> memref<1x!tpu.dma_semaphore, #tpu.memory_space<semaphore_mem>>
    %dma_start3A_14 = tpu.memref_squeeze %dma_start3A_13 : memref<1x!tpu.dma_semaphore, #tpu.memory_space<semaphore_mem>> -> memref<!tpu.dma_semaphore, #tpu.memory_space<semaphore_mem>>
    tpu.enqueue_indirect_dma source(%dma_start3A_12 : memref<100000x128xf32, #tpu.memory_space<hbm>>) target(%dma_start3A_7 : memref<400x128xf32, #tpu.memory_space<vmem>>) offsets(%dma_start3A_9 : memref<400xi32, #tpu.memory_space<vmem>>) semaphore(%dma_start3A_14 : memref<!tpu.dma_semaphore, #tpu.memory_space<semaphore_mem>>)
    %dma_wait3A = arith.constant 0 : i32
    %dma_wait3A_15 = arith.constant 0 : i32
    %dma_wait3A_16 = arith.constant 0 : i32
    %dma_wait3A_17 = arith.constant 0 : i32
    %dma_wait3A_18 = tpu.memref_slice %arg6[%dma_wait3A, %dma_wait3A_16, %dma_wait3A_17] : memref<2x400x128xf32, #tpu.memory_space<vmem>> -> memref<1x400x128xf32, #tpu.memory_space<vmem>>
    %dma_wait3A_19 = tpu.memref_squeeze %dma_wait3A_18 : memref<1x400x128xf32, #tpu.memory_space<vmem>> -> memref<400x128xf32, #tpu.memory_space<vmem>>
    %dma_wait3A_20 = arith.constant 0 : i32
    %dma_wait3A_21 = tpu.memref_slice %arg5[%dma_wait3A_20] : memref<1600xi32, #tpu.memory_space<vmem>> -> memref<400xi32, #tpu.memory_space<vmem>>
    %dma_wait3A_22 = arith.constant 0 : i32
    %dma_wait3A_23 = arith.constant 0 : i32
    %dma_wait3A_24 = tpu.memref_slice %arg2[%dma_wait3A_22, %dma_wait3A_23] : memref<100000x128xf32, #tpu.memory_space<hbm>> -> memref<100000x128xf32, #tpu.memory_space<hbm>>
    %dma_wait3A_25 = tpu.memref_slice %arg7[%dma_wait3A_15] : memref<2x!tpu.dma_semaphore, #tpu.memory_space<semaphore_mem>> -> memref<1x!tpu.dma_semaphore, #tpu.memory_space<semaphore_mem>>
    %dma_wait3A_26 = tpu.memref_squeeze %dma_wait3A_25 : memref<1x!tpu.dma_semaphore, #tpu.memory_space<semaphore_mem>> -> memref<!tpu.dma_semaphore, #tpu.memory_space<semaphore_mem>>
    tpu.wait_indirect_dma semaphore(%dma_wait3A_26 : memref<!tpu.dma_semaphore, #tpu.memory_space<semaphore_mem>>) src(%dma_wait3A_24 : memref<100000x128xf32, #tpu.memory_space<hbm>>) dst(%dma_wait3A_19 : memref<400x128xf32, #tpu.memory_space<vmem>>)
    %add3A_27 = arith.constant 0 : i32
    %add3A_28 = arith.addi %mul3A_2, %add3A_27 : i32
    %dma_start3A_29 = arith.constant 0 : i32
    %dma_start3A_30 = arith.constant 0 : i32
    %dma_start3A_31 = arith.constant 0 : i32
    %dma_start3A_32 = arith.constant 0 : i32
    %dma_start3A_33 = tpu.memref_slice %arg6[%dma_start3A_29, %dma_start3A_31, %dma_start3A_32] : memref<2x400x128xf32, #tpu.memory_space<vmem>> -> memref<1x400x128xf32, #tpu.memory_space<vmem>>
    %dma_start3A_34 = tpu.memref_squeeze %dma_start3A_33 : memref<1x400x128xf32, #tpu.memory_space<vmem>> -> memref<400x128xf32, #tpu.memory_space<vmem>>
    %dma_start3A_35 = arith.constant 0 : i32
    %dma_start3A_36 = tpu.memref_slice %arg4[%add3A_28, %dma_start3A_35] : memref<51200x128xf32, #tpu.memory_space<hbm>> -> memref<400x128xf32, #tpu.memory_space<hbm>>
    %dma_start3A_37 = tpu.memref_slice %arg8[%dma_start3A_30] : memref<2x!tpu.dma_semaphore, #tpu.memory_space<semaphore_mem>> -> memref<1x!tpu.dma_semaphore, #tpu.memory_space<semaphore_mem>>
    %dma_start3A_38 = tpu.memref_squeeze %dma_start3A_37 : memref<1x!tpu.dma_semaphore, #tpu.memory_space<semaphore_mem>> -> memref<!tpu.dma_semaphore, #tpu.memory_space<semaphore_mem>>
    %dma_start3A_39 = arith.constant 0 : i32
    %dma_start3A_40 = tpu.memref_slice %arg4[%add3A_28, %dma_start3A_39] : memref<51200x128xf32, #tpu.memory_space<hbm>> -> memref<400x128xf32, #tpu.memory_space<hbm>>
    %dma_start3A_41 = arith.constant 0 : i32
    %dma_start3A_42 = arith.constant 0 : i32
    %dma_start3A_43 = tpu.memref_slice %arg6[%dma_start3A_29, %dma_start3A_41, %dma_start3A_42] : memref<2x400x128xf32, #tpu.memory_space<vmem>> -> memref<1x400x128xf32, #tpu.memory_space<vmem>>
    %dma_start3A_44 = tpu.memref_squeeze %dma_start3A_43 : memref<1x400x128xf32, #tpu.memory_space<vmem>> -> memref<400x128xf32, #tpu.memory_space<vmem>>
    tpu.enqueue_dma source(%dma_start3A_44 : memref<400x128xf32, #tpu.memory_space<vmem>>) target(%dma_start3A_40 : memref<400x128xf32, #tpu.memory_space<hbm>>) target_semaphore(%dma_start3A_38 : memref<!tpu.dma_semaphore, #tpu.memory_space<semaphore_mem>>)
    %dma_start3A_45 = arith.constant 1 : i32
    %dma_start3A_46 = arith.constant 1 : i32
    %dma_start3A_47 = arith.constant 0 : i32
    %dma_start3A_48 = arith.constant 0 : i32
    %dma_start3A_49 = tpu.memref_slice %arg6[%dma_start3A_45, %dma_start3A_47, %dma_start3A_48] : memref<2x400x128xf32, #tpu.memory_space<vmem>> -> memref<1x400x128xf32, #tpu.memory_space<vmem>>
    %dma_start3A_50 = tpu.memref_squeeze %dma_start3A_49 : memref<1x400x128xf32, #tpu.memory_space<vmem>> -> memref<400x128xf32, #tpu.memory_space<vmem>>
    %dma_start3A_51 = arith.constant 400 : i32
    %dma_start3A_52 = tpu.memref_slice %arg5[%dma_start3A_51] : memref<1600xi32, #tpu.memory_space<vmem>> -> memref<400xi32, #tpu.memory_space<vmem>>
    %dma_start3A_53 = arith.constant 0 : i32
    %dma_start3A_54 = arith.constant 0 : i32
    %dma_start3A_55 = tpu.memref_slice %arg2[%dma_start3A_53, %dma_start3A_54] : memref<100000x128xf32, #tpu.memory_space<hbm>> -> memref<100000x128xf32, #tpu.memory_space<hbm>>
    %dma_start3A_56 = tpu.memref_slice %arg7[%dma_start3A_46] : memref<2x!tpu.dma_semaphore, #tpu.memory_space<semaphore_mem>> -> memref<1x!tpu.dma_semaphore, #tpu.memory_space<semaphore_mem>>
    %dma_start3A_57 = tpu.memref_squeeze %dma_start3A_56 : memref<1x!tpu.dma_semaphore, #tpu.memory_space<semaphore_mem>> -> memref<!tpu.dma_semaphore, #tpu.memory_space<semaphore_mem>>
    tpu.enqueue_indirect_dma source(%dma_start3A_55 : memref<100000x128xf32, #tpu.memory_space<hbm>>) target(%dma_start3A_50 : memref<400x128xf32, #tpu.memory_space<vmem>>) offsets(%dma_start3A_52 : memref<400xi32, #tpu.memory_space<vmem>>) semaphore(%dma_start3A_57 : memref<!tpu.dma_semaphore, #tpu.memory_space<semaphore_mem>>)
    %dma_wait3A_58 = arith.constant 1 : i32
    %dma_wait3A_59 = arith.constant 1 : i32
    %dma_wait3A_60 = arith.constant 0 : i32
    %dma_wait3A_61 = arith.constant 0 : i32
    %dma_wait3A_62 = tpu.memref_slice %arg6[%dma_wait3A_58, %dma_wait3A_60, %dma_wait3A_61] : memref<2x400x128xf32, #tpu.memory_space<vmem>> -> memref<1x400x128xf32, #tpu.memory_space<vmem>>
    %dma_wait3A_63 = tpu.memref_squeeze %dma_wait3A_62 : memref<1x400x128xf32, #tpu.memory_space<vmem>> -> memref<400x128xf32, #tpu.memory_space<vmem>>
    %dma_wait3A_64 = arith.constant 400 : i32
    %dma_wait3A_65 = tpu.memref_slice %arg5[%dma_wait3A_64] : memref<1600xi32, #tpu.memory_space<vmem>> -> memref<400xi32, #tpu.memory_space<vmem>>
    %dma_wait3A_66 = arith.constant 0 : i32
    %dma_wait3A_67 = arith.constant 0 : i32
    %dma_wait3A_68 = tpu.memref_slice %arg2[%dma_wait3A_66, %dma_wait3A_67] : memref<100000x128xf32, #tpu.memory_space<hbm>> -> memref<100000x128xf32, #tpu.memory_space<hbm>>
    %dma_wait3A_69 = tpu.memref_slice %arg7[%dma_wait3A_59] : memref<2x!tpu.dma_semaphore, #tpu.memory_space<semaphore_mem>> -> memref<1x!tpu.dma_semaphore, #tpu.memory_space<semaphore_mem>>
    %dma_wait3A_70 = tpu.memref_squeeze %dma_wait3A_69 : memref<1x!tpu.dma_semaphore, #tpu.memory_space<semaphore_mem>> -> memref<!tpu.dma_semaphore, #tpu.memory_space<semaphore_mem>>
    tpu.wait_indirect_dma semaphore(%dma_wait3A_70 : memref<!tpu.dma_semaphore, #tpu.memory_space<semaphore_mem>>) src(%dma_wait3A_68 : memref<100000x128xf32, #tpu.memory_space<hbm>>) dst(%dma_wait3A_63 : memref<400x128xf32, #tpu.memory_space<vmem>>)
    %add3A_71 = arith.constant 400 : i32
    %add3A_72 = arith.addi %mul3A_2, %add3A_71 : i32
    %dma_start3A_73 = arith.constant 1 : i32
    %dma_start3A_74 = arith.constant 1 : i32
    %dma_start3A_75 = arith.constant 0 : i32
    %dma_start3A_76 = arith.constant 0 : i32
    %dma_start3A_77 = tpu.memref_slice %arg6[%dma_start3A_73, %dma_start3A_75, %dma_start3A_76] : memref<2x400x128xf32, #tpu.memory_space<vmem>> -> memref<1x400x128xf32, #tpu.memory_space<vmem>>
    %dma_start3A_78 = tpu.memref_squeeze %dma_start3A_77 : memref<1x400x128xf32, #tpu.memory_space<vmem>> -> memref<400x128xf32, #tpu.memory_space<vmem>>
    %dma_start3A_79 = arith.constant 0 : i32
    %dma_start3A_80 = tpu.memref_slice %arg4[%add3A_72, %dma_start3A_79] : memref<51200x128xf32, #tpu.memory_space<hbm>> -> memref<400x128xf32, #tpu.memory_space<hbm>>
    %dma_start3A_81 = tpu.memref_slice %arg8[%dma_start3A_74] : memref<2x!tpu.dma_semaphore, #tpu.memory_space<semaphore_mem>> -> memref<1x!tpu.dma_semaphore, #tpu.memory_space<semaphore_mem>>
    %dma_start3A_82 = tpu.memref_squeeze %dma_start3A_81 : memref<1x!tpu.dma_semaphore, #tpu.memory_space<semaphore_mem>> -> memref<!tpu.dma_semaphore, #tpu.memory_space<semaphore_mem>>
    %dma_start3A_83 = arith.constant 0 : i32
    %dma_start3A_84 = tpu.memref_slice %arg4[%add3A_72, %dma_start3A_83] : memref<51200x128xf32, #tpu.memory_space<hbm>> -> memref<400x128xf32, #tpu.memory_space<hbm>>
    %dma_start3A_85 = arith.constant 0 : i32
    %dma_start3A_86 = arith.constant 0 : i32
    %dma_start3A_87 = tpu.memref_slice %arg6[%dma_start3A_73, %dma_start3A_85, %dma_start3A_86] : memref<2x400x128xf32, #tpu.memory_space<vmem>> -> memref<1x400x128xf32, #tpu.memory_space<vmem>>
    %dma_start3A_88 = tpu.memref_squeeze %dma_start3A_87 : memref<1x400x128xf32, #tpu.memory_space<vmem>> -> memref<400x128xf32, #tpu.memory_space<vmem>>
    tpu.enqueue_dma source(%dma_start3A_88 : memref<400x128xf32, #tpu.memory_space<vmem>>) target(%dma_start3A_84 : memref<400x128xf32, #tpu.memory_space<hbm>>) target_semaphore(%dma_start3A_82 : memref<!tpu.dma_semaphore, #tpu.memory_space<semaphore_mem>>)
    %add3A_89 = arith.constant 0 : i32
    %add3A_90 = arith.addi %mul3A_2, %add3A_89 : i32
    %dma_wait3A_91 = arith.constant 0 : i32
    %dma_wait3A_92 = arith.constant 0 : i32
    %dma_wait3A_93 = arith.constant 0 : i32
    %dma_wait3A_94 = arith.constant 0 : i32
    %dma_wait3A_95 = tpu.memref_slice %arg6[%dma_wait3A_91, %dma_wait3A_93, %dma_wait3A_94] : memref<2x400x128xf32, #tpu.memory_space<vmem>> -> memref<1x400x128xf32, #tpu.memory_space<vmem>>
    %dma_wait3A_96 = tpu.memref_squeeze %dma_wait3A_95 : memref<1x400x128xf32, #tpu.memory_space<vmem>> -> memref<400x128xf32, #tpu.memory_space<vmem>>
    %dma_wait3A_97 = arith.constant 0 : i32
    %dma_wait3A_98 = tpu.memref_slice %arg4[%add3A_90, %dma_wait3A_97] : memref<51200x128xf32, #tpu.memory_space<hbm>> -> memref<400x128xf32, #tpu.memory_space<hbm>>
    %dma_wait3A_99 = tpu.memref_slice %arg8[%dma_wait3A_92] : memref<2x!tpu.dma_semaphore, #tpu.memory_space<semaphore_mem>> -> memref<1x!tpu.dma_semaphore, #tpu.memory_space<semaphore_mem>>
    %dma_wait3A_100 = tpu.memref_squeeze %dma_wait3A_99 : memref<1x!tpu.dma_semaphore, #tpu.memory_space<semaphore_mem>> -> memref<!tpu.dma_semaphore, #tpu.memory_space<semaphore_mem>>
    %dma_wait3A_101 = arith.constant 0 : i32
    %dma_wait3A_102 = tpu.memref_slice %arg4[%add3A_90, %dma_wait3A_101] : memref<51200x128xf32, #tpu.memory_space<hbm>> -> memref<400x128xf32, #tpu.memory_space<hbm>>
    %dma_wait3A_103 = arith.constant 0 : i32
    %dma_wait3A_104 = arith.constant 0 : i32
    %dma_wait3A_105 = tpu.memref_slice %arg6[%dma_wait3A_91, %dma_wait3A_103, %dma_wait3A_104] : memref<2x400x128xf32, #tpu.memory_space<vmem>> -> memref<1x400x128xf32, #tpu.memory_space<vmem>>
    %dma_wait3A_106 = tpu.memref_squeeze %dma_wait3A_105 : memref<1x400x128xf32, #tpu.memory_space<vmem>> -> memref<400x128xf32, #tpu.memory_space<vmem>>
    tpu.wait_dma2 semaphore(%dma_wait3A_100 : memref<!tpu.dma_semaphore, #tpu.memory_space<semaphore_mem>>) src(%dma_wait3A_106 : memref<400x128xf32, #tpu.memory_space<vmem>>) dst(%dma_wait3A_102 : memref<400x128xf32, #tpu.memory_space<hbm>>)
    %dma_start3A_107 = arith.constant 0 : i32
    %dma_start3A_108 = arith.constant 0 : i32
    %dma_start3A_109 = arith.constant 0 : i32
    %dma_start3A_110 = arith.constant 0 : i32
    %dma_start3A_111 = tpu.memref_slice %arg6[%dma_start3A_107, %dma_start3A_109, %dma_start3A_110] : memref<2x400x128xf32, #tpu.memory_space<vmem>> -> memref<1x400x128xf32, #tpu.memory_space<vmem>>
    %dma_start3A_112 = tpu.memref_squeeze %dma_start3A_111 : memref<1x400x128xf32, #tpu.memory_space<vmem>> -> memref<400x128xf32, #tpu.memory_space<vmem>>
    %dma_start3A_113 = arith.constant 800 : i32
    %dma_start3A_114 = tpu.memref_slice %arg5[%dma_start3A_113] : memref<1600xi32, #tpu.memory_space<vmem>> -> memref<400xi32, #tpu.memory_space<vmem>>
    %dma_start3A_115 = arith.constant 0 : i32
    %dma_start3A_116 = arith.constant 0 : i32
    %dma_start3A_117 = tpu.memref_slice %arg2[%dma_start3A_115, %dma_start3A_116] : memref<100000x128xf32, #tpu.memory_space<hbm>> -> memref<100000x128xf32, #tpu.memory_space<hbm>>
    %dma_start3A_118 = tpu.memref_slice %arg7[%dma_start3A_108] : memref<2x!tpu.dma_semaphore, #tpu.memory_space<semaphore_mem>> -> memref<1x!tpu.dma_semaphore, #tpu.memory_space<semaphore_mem>>
    %dma_start3A_119 = tpu.memref_squeeze %dma_start3A_118 : memref<1x!tpu.dma_semaphore, #tpu.memory_space<semaphore_mem>> -> memref<!tpu.dma_semaphore, #tpu.memory_space<semaphore_mem>>
    tpu.enqueue_indirect_dma source(%dma_start3A_117 : memref<100000x128xf32, #tpu.memory_space<hbm>>) target(%dma_start3A_112 : memref<400x128xf32, #tpu.memory_space<vmem>>) offsets(%dma_start3A_114 : memref<400xi32, #tpu.memory_space<vmem>>) semaphore(%dma_start3A_119 : memref<!tpu.dma_semaphore, #tpu.memory_space<semaphore_mem>>)
    %dma_wait3A_120 = arith.constant 0 : i32
    %dma_wait3A_121 = arith.constant 0 : i32
    %dma_wait3A_122 = arith.constant 0 : i32
    %dma_wait3A_123 = arith.constant 0 : i32
    %dma_wait3A_124 = tpu.memref_slice %arg6[%dma_wait3A_120, %dma_wait3A_122, %dma_wait3A_123] : memref<2x400x128xf32, #tpu.memory_space<vmem>> -> memref<1x400x128xf32, #tpu.memory_space<vmem>>
    %dma_wait3A_125 = tpu.memref_squeeze %dma_wait3A_124 : memref<1x400x128xf32, #tpu.memory_space<vmem>> -> memref<400x128xf32, #tpu.memory_space<vmem>>
    %dma_wait3A_126 = arith.constant 800 : i32
    %dma_wait3A_127 = tpu.memref_slice %arg5[%dma_wait3A_126] : memref<1600xi32, #tpu.memory_space<vmem>> -> memref<400xi32, #tpu.memory_space<vmem>>
    %dma_wait3A_128 = arith.constant 0 : i32
    %dma_wait3A_129 = arith.constant 0 : i32
    %dma_wait3A_130 = tpu.memref_slice %arg2[%dma_wait3A_128, %dma_wait3A_129] : memref<100000x128xf32, #tpu.memory_space<hbm>> -> memref<100000x128xf32, #tpu.memory_space<hbm>>
    %dma_wait3A_131 = tpu.memref_slice %arg7[%dma_wait3A_121] : memref<2x!tpu.dma_semaphore, #tpu.memory_space<semaphore_mem>> -> memref<1x!tpu.dma_semaphore, #tpu.memory_space<semaphore_mem>>
    %dma_wait3A_132 = tpu.memref_squeeze %dma_wait3A_131 : memref<1x!tpu.dma_semaphore, #tpu.memory_space<semaphore_mem>> -> memref<!tpu.dma_semaphore, #tpu.memory_space<semaphore_mem>>
    tpu.wait_indirect_dma semaphore(%dma_wait3A_132 : memref<!tpu.dma_semaphore, #tpu.memory_space<semaphore_mem>>) src(%dma_wait3A_130 : memref<100000x128xf32, #tpu.memory_space<hbm>>) dst(%dma_wait3A_125 : memref<400x128xf32, #tpu.memory_space<vmem>>)
    %add3A_133 = arith.constant 800 : i32
    %add3A_134 = arith.addi %mul3A_2, %add3A_133 : i32
    %dma_start3A_135 = arith.constant 0 : i32
    %dma_start3A_136 = arith.constant 0 : i32
    %dma_start3A_137 = arith.constant 0 : i32
    %dma_start3A_138 = arith.constant 0 : i32
    %dma_start3A_139 = tpu.memref_slice %arg6[%dma_start3A_135, %dma_start3A_137, %dma_start3A_138] : memref<2x400x128xf32, #tpu.memory_space<vmem>> -> memref<1x400x128xf32, #tpu.memory_space<vmem>>
    %dma_start3A_140 = tpu.memref_squeeze %dma_start3A_139 : memref<1x400x128xf32, #tpu.memory_space<vmem>> -> memref<400x128xf32, #tpu.memory_space<vmem>>
    %dma_start3A_141 = arith.constant 0 : i32
    %dma_start3A_142 = tpu.memref_slice %arg4[%add3A_134, %dma_start3A_141] : memref<51200x128xf32, #tpu.memory_space<hbm>> -> memref<400x128xf32, #tpu.memory_space<hbm>>
    %dma_start3A_143 = tpu.memref_slice %arg8[%dma_start3A_136] : memref<2x!tpu.dma_semaphore, #tpu.memory_space<semaphore_mem>> -> memref<1x!tpu.dma_semaphore, #tpu.memory_space<semaphore_mem>>
    %dma_start3A_144 = tpu.memref_squeeze %dma_start3A_143 : memref<1x!tpu.dma_semaphore, #tpu.memory_space<semaphore_mem>> -> memref<!tpu.dma_semaphore, #tpu.memory_space<semaphore_mem>>
    %dma_start3A_145 = arith.constant 0 : i32
    %dma_start3A_146 = tpu.memref_slice %arg4[%add3A_134, %dma_start3A_145] : memref<51200x128xf32, #tpu.memory_space<hbm>> -> memref<400x128xf32, #tpu.memory_space<hbm>>
    %dma_start3A_147 = arith.constant 0 : i32
    %dma_start3A_148 = arith.constant 0 : i32
    %dma_start3A_149 = tpu.memref_slice %arg6[%dma_start3A_135, %dma_start3A_147, %dma_start3A_148] : memref<2x400x128xf32, #tpu.memory_space<vmem>> -> memref<1x400x128xf32, #tpu.memory_space<vmem>>
    %dma_start3A_150 = tpu.memref_squeeze %dma_start3A_149 : memref<1x400x128xf32, #tpu.memory_space<vmem>> -> memref<400x128xf32, #tpu.memory_space<vmem>>
    tpu.enqueue_dma source(%dma_start3A_150 : memref<400x128xf32, #tpu.memory_space<vmem>>) target(%dma_start3A_146 : memref<400x128xf32, #tpu.memory_space<hbm>>) target_semaphore(%dma_start3A_144 : memref<!tpu.dma_semaphore, #tpu.memory_space<semaphore_mem>>)
    %add3A_151 = arith.constant 400 : i32
    %add3A_152 = arith.addi %mul3A_2, %add3A_151 : i32
    %dma_wait3A_153 = arith.constant 1 : i32
    %dma_wait3A_154 = arith.constant 1 : i32
    %dma_wait3A_155 = arith.constant 0 : i32
    %dma_wait3A_156 = arith.constant 0 : i32
    %dma_wait3A_157 = tpu.memref_slice %arg6[%dma_wait3A_153, %dma_wait3A_155, %dma_wait3A_156] : memref<2x400x128xf32, #tpu.memory_space<vmem>> -> memref<1x400x128xf32, #tpu.memory_space<vmem>>
    %dma_wait3A_158 = tpu.memref_squeeze %dma_wait3A_157 : memref<1x400x128xf32, #tpu.memory_space<vmem>> -> memref<400x128xf32, #tpu.memory_space<vmem>>
    %dma_wait3A_159 = arith.constant 0 : i32
    %dma_wait3A_160 = tpu.memref_slice %arg4[%add3A_152, %dma_wait3A_159] : memref<51200x128xf32, #tpu.memory_space<hbm>> -> memref<400x128xf32, #tpu.memory_space<hbm>>
    %dma_wait3A_161 = tpu.memref_slice %arg8[%dma_wait3A_154] : memref<2x!tpu.dma_semaphore, #tpu.memory_space<semaphore_mem>> -> memref<1x!tpu.dma_semaphore, #tpu.memory_space<semaphore_mem>>
    %dma_wait3A_162 = tpu.memref_squeeze %dma_wait3A_161 : memref<1x!tpu.dma_semaphore, #tpu.memory_space<semaphore_mem>> -> memref<!tpu.dma_semaphore, #tpu.memory_space<semaphore_mem>>
    %dma_wait3A_163 = arith.constant 0 : i32
    %dma_wait3A_164 = tpu.memref_slice %arg4[%add3A_152, %dma_wait3A_163] : memref<51200x128xf32, #tpu.memory_space<hbm>> -> memref<400x128xf32, #tpu.memory_space<hbm>>
    %dma_wait3A_165 = arith.constant 0 : i32
    %dma_wait3A_166 = arith.constant 0 : i32
    %dma_wait3A_167 = tpu.memref_slice %arg6[%dma_wait3A_153, %dma_wait3A_165, %dma_wait3A_166] : memref<2x400x128xf32, #tpu.memory_space<vmem>> -> memref<1x400x128xf32, #tpu.memory_space<vmem>>
    %dma_wait3A_168 = tpu.memref_squeeze %dma_wait3A_167 : memref<1x400x128xf32, #tpu.memory_space<vmem>> -> memref<400x128xf32, #tpu.memory_space<vmem>>
    tpu.wait_dma2 semaphore(%dma_wait3A_162 : memref<!tpu.dma_semaphore, #tpu.memory_space<semaphore_mem>>) src(%dma_wait3A_168 : memref<400x128xf32, #tpu.memory_space<vmem>>) dst(%dma_wait3A_164 : memref<400x128xf32, #tpu.memory_space<hbm>>)
    %dma_start3A_169 = arith.constant 1 : i32
    %dma_start3A_170 = arith.constant 1 : i32
    %dma_start3A_171 = arith.constant 0 : i32
    %dma_start3A_172 = arith.constant 0 : i32
    %dma_start3A_173 = tpu.memref_slice %arg6[%dma_start3A_169, %dma_start3A_171, %dma_start3A_172] : memref<2x400x128xf32, #tpu.memory_space<vmem>> -> memref<1x400x128xf32, #tpu.memory_space<vmem>>
    %dma_start3A_174 = tpu.memref_squeeze %dma_start3A_173 : memref<1x400x128xf32, #tpu.memory_space<vmem>> -> memref<400x128xf32, #tpu.memory_space<vmem>>
    %dma_start3A_175 = arith.constant 1200 : i32
    %dma_start3A_176 = tpu.memref_slice %arg5[%dma_start3A_175] : memref<1600xi32, #tpu.memory_space<vmem>> -> memref<400xi32, #tpu.memory_space<vmem>>
    %dma_start3A_177 = arith.constant 0 : i32
    %dma_start3A_178 = arith.constant 0 : i32
    %dma_start3A_179 = tpu.memref_slice %arg2[%dma_start3A_177, %dma_start3A_178] : memref<100000x128xf32, #tpu.memory_space<hbm>> -> memref<100000x128xf32, #tpu.memory_space<hbm>>
    %dma_start3A_180 = tpu.memref_slice %arg7[%dma_start3A_170] : memref<2x!tpu.dma_semaphore, #tpu.memory_space<semaphore_mem>> -> memref<1x!tpu.dma_semaphore, #tpu.memory_space<semaphore_mem>>
    %dma_start3A_181 = tpu.memref_squeeze %dma_start3A_180 : memref<1x!tpu.dma_semaphore, #tpu.memory_space<semaphore_mem>> -> memref<!tpu.dma_semaphore, #tpu.memory_space<semaphore_mem>>
    tpu.enqueue_indirect_dma source(%dma_start3A_179 : memref<100000x128xf32, #tpu.memory_space<hbm>>) target(%dma_start3A_174 : memref<400x128xf32, #tpu.memory_space<vmem>>) offsets(%dma_start3A_176 : memref<400xi32, #tpu.memory_space<vmem>>) semaphore(%dma_start3A_181 : memref<!tpu.dma_semaphore, #tpu.memory_space<semaphore_mem>>)
    %dma_wait3A_182 = arith.constant 1 : i32
    %dma_wait3A_183 = arith.constant 1 : i32
    %dma_wait3A_184 = arith.constant 0 : i32
    %dma_wait3A_185 = arith.constant 0 : i32
    %dma_wait3A_186 = tpu.memref_slice %arg6[%dma_wait3A_182, %dma_wait3A_184, %dma_wait3A_185] : memref<2x400x128xf32, #tpu.memory_space<vmem>> -> memref<1x400x128xf32, #tpu.memory_space<vmem>>
    %dma_wait3A_187 = tpu.memref_squeeze %dma_wait3A_186 : memref<1x400x128xf32, #tpu.memory_space<vmem>> -> memref<400x128xf32, #tpu.memory_space<vmem>>
    %dma_wait3A_188 = arith.constant 1200 : i32
    %dma_wait3A_189 = tpu.memref_slice %arg5[%dma_wait3A_188] : memref<1600xi32, #tpu.memory_space<vmem>> -> memref<400xi32, #tpu.memory_space<vmem>>
    %dma_wait3A_190 = arith.constant 0 : i32
    %dma_wait3A_191 = arith.constant 0 : i32
    %dma_wait3A_192 = tpu.memref_slice %arg2[%dma_wait3A_190, %dma_wait3A_191] : memref<100000x128xf32, #tpu.memory_space<hbm>> -> memref<100000x128xf32, #tpu.memory_space<hbm>>
    %dma_wait3A_193 = tpu.memref_slice %arg7[%dma_wait3A_183] : memref<2x!tpu.dma_semaphore, #tpu.memory_space<semaphore_mem>> -> memref<1x!tpu.dma_semaphore, #tpu.memory_space<semaphore_mem>>
    %dma_wait3A_194 = tpu.memref_squeeze %dma_wait3A_193 : memref<1x!tpu.dma_semaphore, #tpu.memory_space<semaphore_mem>> -> memref<!tpu.dma_semaphore, #tpu.memory_space<semaphore_mem>>
    tpu.wait_indirect_dma semaphore(%dma_wait3A_194 : memref<!tpu.dma_semaphore, #tpu.memory_space<semaphore_mem>>) src(%dma_wait3A_192 : memref<100000x128xf32, #tpu.memory_space<hbm>>) dst(%dma_wait3A_187 : memref<400x128xf32, #tpu.memory_space<vmem>>)
    %add3A_195 = arith.constant 1200 : i32
    %add3A_196 = arith.addi %mul3A_2, %add3A_195 : i32
    %dma_start3A_197 = arith.constant 1 : i32
    %dma_start3A_198 = arith.constant 1 : i32
    %dma_start3A_199 = arith.constant 0 : i32
    %dma_start3A_200 = arith.constant 0 : i32
    %dma_start3A_201 = tpu.memref_slice %arg6[%dma_start3A_197, %dma_start3A_199, %dma_start3A_200] : memref<2x400x128xf32, #tpu.memory_space<vmem>> -> memref<1x400x128xf32, #tpu.memory_space<vmem>>
    %dma_start3A_202 = tpu.memref_squeeze %dma_start3A_201 : memref<1x400x128xf32, #tpu.memory_space<vmem>> -> memref<400x128xf32, #tpu.memory_space<vmem>>
    %dma_start3A_203 = arith.constant 0 : i32
    %dma_start3A_204 = tpu.memref_slice %arg4[%add3A_196, %dma_start3A_203] : memref<51200x128xf32, #tpu.memory_space<hbm>> -> memref<400x128xf32, #tpu.memory_space<hbm>>
    %dma_start3A_205 = tpu.memref_slice %arg8[%dma_start3A_198] : memref<2x!tpu.dma_semaphore, #tpu.memory_space<semaphore_mem>> -> memref<1x!tpu.dma_semaphore, #tpu.memory_space<semaphore_mem>>
    %dma_start3A_206 = tpu.memref_squeeze %dma_start3A_205 : memref<1x!tpu.dma_semaphore, #tpu.memory_space<semaphore_mem>> -> memref<!tpu.dma_semaphore, #tpu.memory_space<semaphore_mem>>
    %dma_start3A_207 = arith.constant 0 : i32
    %dma_start3A_208 = tpu.memref_slice %arg4[%add3A_196, %dma_start3A_207] : memref<51200x128xf32, #tpu.memory_space<hbm>> -> memref<400x128xf32, #tpu.memory_space<hbm>>
    %dma_start3A_209 = arith.constant 0 : i32
    %dma_start3A_210 = arith.constant 0 : i32
    %dma_start3A_211 = tpu.memref_slice %arg6[%dma_start3A_197, %dma_start3A_209, %dma_start3A_210] : memref<2x400x128xf32, #tpu.memory_space<vmem>> -> memref<1x400x128xf32, #tpu.memory_space<vmem>>
    %dma_start3A_212 = tpu.memref_squeeze %dma_start3A_211 : memref<1x400x128xf32, #tpu.memory_space<vmem>> -> memref<400x128xf32, #tpu.memory_space<vmem>>
    tpu.enqueue_dma source(%dma_start3A_212 : memref<400x128xf32, #tpu.memory_space<vmem>>) target(%dma_start3A_208 : memref<400x128xf32, #tpu.memory_space<hbm>>) target_semaphore(%dma_start3A_206 : memref<!tpu.dma_semaphore, #tpu.memory_space<semaphore_mem>>)
    %add3A_213 = arith.constant 800 : i32
    %add3A_214 = arith.addi %mul3A_2, %add3A_213 : i32
    %dma_wait3A_215 = arith.constant 0 : i32
    %dma_wait3A_216 = arith.constant 0 : i32
    %dma_wait3A_217 = arith.constant 0 : i32
    %dma_wait3A_218 = arith.constant 0 : i32
    %dma_wait3A_219 = tpu.memref_slice %arg6[%dma_wait3A_215, %dma_wait3A_217, %dma_wait3A_218] : memref<2x400x128xf32, #tpu.memory_space<vmem>> -> memref<1x400x128xf32, #tpu.memory_space<vmem>>
    %dma_wait3A_220 = tpu.memref_squeeze %dma_wait3A_219 : memref<1x400x128xf32, #tpu.memory_space<vmem>> -> memref<400x128xf32, #tpu.memory_space<vmem>>
    %dma_wait3A_221 = arith.constant 0 : i32
    %dma_wait3A_222 = tpu.memref_slice %arg4[%add3A_214, %dma_wait3A_221] : memref<51200x128xf32, #tpu.memory_space<hbm>> -> memref<400x128xf32, #tpu.memory_space<hbm>>
    %dma_wait3A_223 = tpu.memref_slice %arg8[%dma_wait3A_216] : memref<2x!tpu.dma_semaphore, #tpu.memory_space<semaphore_mem>> -> memref<1x!tpu.dma_semaphore, #tpu.memory_space<semaphore_mem>>
    %dma_wait3A_224 = tpu.memref_squeeze %dma_wait3A_223 : memref<1x!tpu.dma_semaphore, #tpu.memory_space<semaphore_mem>> -> memref<!tpu.dma_semaphore, #tpu.memory_space<semaphore_mem>>
    %dma_wait3A_225 = arith.constant 0 : i32
    %dma_wait3A_226 = tpu.memref_slice %arg4[%add3A_214, %dma_wait3A_225] : memref<51200x128xf32, #tpu.memory_space<hbm>> -> memref<400x128xf32, #tpu.memory_space<hbm>>
    %dma_wait3A_227 = arith.constant 0 : i32
    %dma_wait3A_228 = arith.constant 0 : i32
    %dma_wait3A_229 = tpu.memref_slice %arg6[%dma_wait3A_215, %dma_wait3A_227, %dma_wait3A_228] : memref<2x400x128xf32, #tpu.memory_space<vmem>> -> memref<1x400x128xf32, #tpu.memory_space<vmem>>
    %dma_wait3A_230 = tpu.memref_squeeze %dma_wait3A_229 : memref<1x400x128xf32, #tpu.memory_space<vmem>> -> memref<400x128xf32, #tpu.memory_space<vmem>>
    tpu.wait_dma2 semaphore(%dma_wait3A_224 : memref<!tpu.dma_semaphore, #tpu.memory_space<semaphore_mem>>) src(%dma_wait3A_230 : memref<400x128xf32, #tpu.memory_space<vmem>>) dst(%dma_wait3A_226 : memref<400x128xf32, #tpu.memory_space<hbm>>)
    %add3A_231 = arith.constant 1200 : i32
    %add3A_232 = arith.addi %mul3A_2, %add3A_231 : i32
    %dma_wait3A_233 = arith.constant 1 : i32
    %dma_wait3A_234 = arith.constant 1 : i32
    %dma_wait3A_235 = arith.constant 0 : i32
    %dma_wait3A_236 = arith.constant 0 : i32
    %dma_wait3A_237 = tpu.memref_slice %arg6[%dma_wait3A_233, %dma_wait3A_235, %dma_wait3A_236] : memref<2x400x128xf32, #tpu.memory_space<vmem>> -> memref<1x400x128xf32, #tpu.memory_space<vmem>>
    %dma_wait3A_238 = tpu.memref_squeeze %dma_wait3A_237 : memref<1x400x128xf32, #tpu.memory_space<vmem>> -> memref<400x128xf32, #tpu.memory_space<vmem>>
    %dma_wait3A_239 = arith.constant 0 : i32
    %dma_wait3A_240 = tpu.memref_slice %arg4[%add3A_232, %dma_wait3A_239] : memref<51200x128xf32, #tpu.memory_space<hbm>> -> memref<400x128xf32, #tpu.memory_space<hbm>>
    %dma_wait3A_241 = tpu.memref_slice %arg8[%dma_wait3A_234] : memref<2x!tpu.dma_semaphore, #tpu.memory_space<semaphore_mem>> -> memref<1x!tpu.dma_semaphore, #tpu.memory_space<semaphore_mem>>
    %dma_wait3A_242 = tpu.memref_squeeze %dma_wait3A_241 : memref<1x!tpu.dma_semaphore, #tpu.memory_space<semaphore_mem>> -> memref<!tpu.dma_semaphore, #tpu.memory_space<semaphore_mem>>
    %dma_wait3A_243 = arith.constant 0 : i32
    %dma_wait3A_244 = tpu.memref_slice %arg4[%add3A_232, %dma_wait3A_243] : memref<51200x128xf32, #tpu.memory_space<hbm>> -> memref<400x128xf32, #tpu.memory_space<hbm>>
    %dma_wait3A_245 = arith.constant 0 : i32
    %dma_wait3A_246 = arith.constant 0 : i32
    %dma_wait3A_247 = tpu.memref_slice %arg6[%dma_wait3A_233, %dma_wait3A_245, %dma_wait3A_246] : memref<2x400x128xf32, #tpu.memory_space<vmem>> -> memref<1x400x128xf32, #tpu.memory_space<vmem>>
    %dma_wait3A_248 = tpu.memref_squeeze %dma_wait3A_247 : memref<1x400x128xf32, #tpu.memory_space<vmem>> -> memref<400x128xf32, #tpu.memory_space<vmem>>
    tpu.wait_dma2 semaphore(%dma_wait3A_242 : memref<!tpu.dma_semaphore, #tpu.memory_space<semaphore_mem>>) src(%dma_wait3A_248 : memref<400x128xf32, #tpu.memory_space<vmem>>) dst(%dma_wait3A_244 : memref<400x128xf32, #tpu.memory_space<hbm>>)
    return
  }
}

module attributes {stable_mosaic.version = 14 : i64} {
  func.func @body(%arg0: i32, %arg1: memref<1000x128xf32, #tpu.memory_space<vmem>>, %arg2: memref<3x1000x128xf32, #tpu.memory_space<vmem>>, %arg3: memref<128x128xf32, #tpu.memory_space<vmem>>, %arg4: memref<1x128xf32, #tpu.memory_space<vmem>>, %arg5: memref<128x16xf32, #tpu.memory_space<vmem>>, %arg6: memref<1x16xf32, #tpu.memory_space<vmem>>, %arg7: memref<1000x16xf32, #tpu.memory_space<vmem>>) attributes {dimension_semantics = [#tpu.dimension_semantics<arbitrary>], iteration_bounds = array<i64: 50>, scalar_prefetch = 0 : i64, scratch_operands = 0 : i64, tpu.core_type = #tpu.core_type<tc>, window_params = [{transform_indices = @transform_0, window_bounds = array<i64: 1000, 128>}, {transform_indices = @transform_1, window_bounds = array<i64: 3, 1000, 128>}, {pipeline_mode = #tpu.pipeline_mode<synchronous>, transform_indices = @transform_2, window_bounds = array<i64: 128, 128>}, {pipeline_mode = #tpu.pipeline_mode<synchronous>, transform_indices = @transform_3, window_bounds = array<i64: 1, 128>}, {pipeline_mode = #tpu.pipeline_mode<synchronous>, transform_indices = @transform_4, window_bounds = array<i64: 128, 16>}, {pipeline_mode = #tpu.pipeline_mode<synchronous>, transform_indices = @transform_5, window_bounds = array<i64: 1, 16>}, {transform_indices = @transform_6, window_bounds = array<i64: 1000, 16>}]} {
    %get3A = arith.constant 0 : index
    %get3A_0 = arith.constant 0 : index
    %get3A_1 = vector.load %arg1[%get3A, %get3A_0] : memref<1000x128xf32, #tpu.memory_space<vmem>>, vector<1000x128xf32>
    %get3A_2 = arith.constant 0 : index
    %get3A_3 = arith.constant 0 : index
    %get3A_4 = arith.constant 0 : index
    %get3A_5 = vector.load %arg2[%get3A_2, %get3A_3, %get3A_4] : memref<3x1000x128xf32, #tpu.memory_space<vmem>>, vector<1x1000x128xf32>
    %get3A_6 = vector.shape_cast %get3A_5 : vector<1x1000x128xf32> to vector<1000x128xf32>
    %get3A_7 = arith.constant 1 : index
    %get3A_8 = arith.constant 0 : index
    %get3A_9 = arith.constant 0 : index
    %get3A_10 = vector.load %arg2[%get3A_7, %get3A_8, %get3A_9] : memref<3x1000x128xf32, #tpu.memory_space<vmem>>, vector<1x1000x128xf32>
    %get3A_11 = vector.shape_cast %get3A_10 : vector<1x1000x128xf32> to vector<1000x128xf32>
    %get3A_12 = arith.constant 2 : index
    %get3A_13 = arith.constant 0 : index
    %get3A_14 = arith.constant 0 : index
    %get3A_15 = vector.load %arg2[%get3A_12, %get3A_13, %get3A_14] : memref<3x1000x128xf32, #tpu.memory_space<vmem>>, vector<1x1000x128xf32>
    %get3A_16 = vector.shape_cast %get3A_15 : vector<1x1000x128xf32> to vector<1000x128xf32>
    %broadcast_in_dim3A = arith.constant 1.000000e+00 : f32
    %broadcast_in_dim3A_17 = vector.broadcast %broadcast_in_dim3A : f32 to vector<128x1xf32>
    %mul3A = arith.mulf %get3A_1, %get3A_1 : vector<1000x128xf32>
    %dot_general3A = arith.constant dense<0.000000e+00> : vector<1000x1xf32>
    %dot_general3A_18 = tpu.matmul %mul3A, %broadcast_in_dim3A_17, %dot_general3A {dimension_numbers = #tpu.dot_dimension_numbers<[1], [0], [0], [1], [0, 0, 1, 1], [], []>, transpose_lhs_hint = false} : vector<1000x128xf32>, vector<128x1xf32>, vector<1000x1xf32> -> vector<1000x1xf32>
    %mul3A_19 = arith.mulf %get3A_1, %get3A_6 : vector<1000x128xf32>
    %dot_general3A_20 = arith.constant dense<0.000000e+00> : vector<1000x1xf32>
    %dot_general3A_21 = tpu.matmul %mul3A_19, %broadcast_in_dim3A_17, %dot_general3A_20 {dimension_numbers = #tpu.dot_dimension_numbers<[1], [0], [0], [1], [0, 0, 1, 1], [], []>, transpose_lhs_hint = false} : vector<1000x128xf32>, vector<128x1xf32>, vector<1000x1xf32> -> vector<1000x1xf32>
    %mul3A_22 = arith.mulf %get3A_1, %get3A_11 : vector<1000x128xf32>
    %dot_general3A_23 = arith.constant dense<0.000000e+00> : vector<1000x1xf32>
    %dot_general3A_24 = tpu.matmul %mul3A_22, %broadcast_in_dim3A_17, %dot_general3A_23 {dimension_numbers = #tpu.dot_dimension_numbers<[1], [0], [0], [1], [0, 0, 1, 1], [], []>, transpose_lhs_hint = false} : vector<1000x128xf32>, vector<128x1xf32>, vector<1000x1xf32> -> vector<1000x1xf32>
    %mul3A_25 = arith.mulf %get3A_1, %get3A_16 : vector<1000x128xf32>
    %dot_general3A_26 = arith.constant dense<0.000000e+00> : vector<1000x1xf32>
    %dot_general3A_27 = tpu.matmul %mul3A_25, %broadcast_in_dim3A_17, %dot_general3A_26 {dimension_numbers = #tpu.dot_dimension_numbers<[1], [0], [0], [1], [0, 0, 1, 1], [], []>, transpose_lhs_hint = false} : vector<1000x128xf32>, vector<128x1xf32>, vector<1000x1xf32> -> vector<1000x1xf32>
    %sqrt3A = math.sqrt %dot_general3A_18 : vector<1000x1xf32>
    %max3A = arith.constant 9.99999996E-13 : f32
    %max3A_28 = vector.broadcast %max3A : f32 to vector<1000x1xf32>
    %max3A_29 = arith.maximumf %sqrt3A, %max3A_28 : vector<1000x1xf32>
    %div3A = arith.constant 1.000000e+00 : f32
    %div3A_30 = vector.broadcast %div3A : f32 to vector<1000x1xf32>
    %div3A_31 = arith.divf %div3A_30, %max3A_29 : vector<1000x1xf32>
    %mul3A_32 = arith.mulf %dot_general3A_18, %div3A_31 : vector<1000x1xf32>
    %mul3A_33 = arith.mulf %mul3A_32, %div3A_31 : vector<1000x1xf32>
    %mul3A_34 = arith.constant 0.0883883461 : f32
    %mul3A_35 = vector.broadcast %mul3A_34 : f32 to vector<1000x1xf32>
    %mul3A_36 = arith.mulf %mul3A_33, %mul3A_35 : vector<1000x1xf32>
    %mul3A_37 = arith.constant 0.0883883461 : f32
    %mul3A_38 = vector.broadcast %mul3A_37 : f32 to vector<1000x1xf32>
    %mul3A_39 = arith.mulf %div3A_31, %mul3A_38 : vector<1000x1xf32>
    %mul3A_40 = arith.mulf %dot_general3A_21, %mul3A_39 : vector<1000x1xf32>
    %mul3A_41 = arith.mulf %dot_general3A_24, %mul3A_39 : vector<1000x1xf32>
    %mul3A_42 = arith.mulf %dot_general3A_27, %mul3A_39 : vector<1000x1xf32>
    %max3A_43 = arith.maximumf %mul3A_36, %mul3A_40 : vector<1000x1xf32>
    %max3A_44 = arith.maximumf %mul3A_41, %mul3A_42 : vector<1000x1xf32>
    %max3A_45 = arith.maximumf %max3A_43, %max3A_44 : vector<1000x1xf32>
    %sub3A = arith.subf %mul3A_36, %max3A_45 : vector<1000x1xf32>
    %exp3A = math.exp %sub3A : vector<1000x1xf32>
    %sub3A_46 = arith.subf %mul3A_40, %max3A_45 : vector<1000x1xf32>
    %exp3A_47 = math.exp %sub3A_46 : vector<1000x1xf32>
    %sub3A_48 = arith.subf %mul3A_41, %max3A_45 : vector<1000x1xf32>
    %exp3A_49 = math.exp %sub3A_48 : vector<1000x1xf32>
    %sub3A_50 = arith.subf %mul3A_42, %max3A_45 : vector<1000x1xf32>
    %exp3A_51 = math.exp %sub3A_50 : vector<1000x1xf32>
    %add3A = arith.addf %exp3A, %exp3A_47 : vector<1000x1xf32>
    %add3A_52 = arith.addf %add3A, %exp3A_49 : vector<1000x1xf32>
    %add3A_53 = arith.addf %add3A_52, %exp3A_51 : vector<1000x1xf32>
    %div3A_54 = arith.constant 1.000000e+00 : f32
    %div3A_55 = vector.broadcast %div3A_54 : f32 to vector<1000x1xf32>
    %div3A_56 = arith.divf %div3A_55, %add3A_53 : vector<1000x1xf32>
    %mul3A_57 = arith.mulf %exp3A, %div3A_31 : vector<1000x1xf32>
    %mul3A_58 = arith.mulf %mul3A_57, %div3A_56 : vector<1000x1xf32>
    %mul3A_59 = vector.broadcast %mul3A_58 : vector<1000x1xf32> to vector<1000x128xf32>
    %mul3A_60 = arith.mulf %mul3A_59, %get3A_1 : vector<1000x128xf32>
    %mul3A_61 = arith.mulf %exp3A_47, %div3A_56 : vector<1000x1xf32>
    %mul3A_62 = vector.broadcast %mul3A_61 : vector<1000x1xf32> to vector<1000x128xf32>
    %mul3A_63 = arith.mulf %mul3A_62, %get3A_6 : vector<1000x128xf32>
    %add3A_64 = arith.addf %mul3A_60, %mul3A_63 : vector<1000x128xf32>
    %mul3A_65 = arith.mulf %exp3A_49, %div3A_56 : vector<1000x1xf32>
    %mul3A_66 = vector.broadcast %mul3A_65 : vector<1000x1xf32> to vector<1000x128xf32>
    %mul3A_67 = arith.mulf %mul3A_66, %get3A_11 : vector<1000x128xf32>
    %add3A_68 = arith.addf %add3A_64, %mul3A_67 : vector<1000x128xf32>
    %mul3A_69 = arith.mulf %exp3A_51, %div3A_56 : vector<1000x1xf32>
    %mul3A_70 = vector.broadcast %mul3A_69 : vector<1000x1xf32> to vector<1000x128xf32>
    %mul3A_71 = arith.mulf %mul3A_70, %get3A_16 : vector<1000x128xf32>
    %add3A_72 = arith.addf %add3A_68, %mul3A_71 : vector<1000x128xf32>
    %get3A_73 = arith.constant 0 : index
    %get3A_74 = arith.constant 0 : index
    %get3A_75 = vector.load %arg3[%get3A_73, %get3A_74] : memref<128x128xf32, #tpu.memory_space<vmem>>, vector<128x128xf32>
    %dot_general3A_76 = arith.constant dense<0.000000e+00> : vector<1000x128xf32>
    %dot_general3A_77 = tpu.matmul %add3A_72, %get3A_75, %dot_general3A_76 {dimension_numbers = #tpu.dot_dimension_numbers<[1], [0], [0], [1], [0, 0, 1, 1], [], []>, transpose_lhs_hint = false} : vector<1000x128xf32>, vector<128x128xf32>, vector<1000x128xf32> -> vector<1000x128xf32>
    %get3A_78 = arith.constant 0 : index
    %get3A_79 = arith.constant 0 : index
    %get3A_80 = vector.load %arg4[%get3A_78, %get3A_79] : memref<1x128xf32, #tpu.memory_space<vmem>>, vector<1x128xf32>
    %add3A_81 = vector.broadcast %get3A_80 : vector<1x128xf32> to vector<1000x128xf32>
    %add3A_82 = arith.addf %dot_general3A_77, %add3A_81 : vector<1000x128xf32>
    %max3A_83 = arith.constant 0.000000e+00 : f32
    %max3A_84 = vector.broadcast %max3A_83 : f32 to vector<1000x128xf32>
    %max3A_85 = arith.maximumf %add3A_82, %max3A_84 : vector<1000x128xf32>
    %get3A_86 = arith.constant 0 : index
    %get3A_87 = arith.constant 0 : index
    %get3A_88 = vector.load %arg5[%get3A_86, %get3A_87] : memref<128x16xf32, #tpu.memory_space<vmem>>, vector<128x16xf32>
    %dot_general3A_89 = arith.constant dense<0.000000e+00> : vector<1000x16xf32>
    %dot_general3A_90 = tpu.matmul %max3A_85, %get3A_88, %dot_general3A_89 {dimension_numbers = #tpu.dot_dimension_numbers<[1], [0], [0], [1], [0, 0, 1, 1], [], []>, transpose_lhs_hint = false} : vector<1000x128xf32>, vector<128x16xf32>, vector<1000x16xf32> -> vector<1000x16xf32>
    %get3A_91 = arith.constant 0 : index
    %get3A_92 = arith.constant 0 : index
    %get3A_93 = vector.load %arg6[%get3A_91, %get3A_92] : memref<1x16xf32, #tpu.memory_space<vmem>>, vector<1x16xf32>
    %add3A_94 = vector.broadcast %get3A_93 : vector<1x16xf32> to vector<1000x16xf32>
    %add3A_95 = arith.addf %dot_general3A_90, %add3A_94 : vector<1000x16xf32>
    %reduce_max3A = arith.constant dense<0xFF800000> : vector<1000xf32>
    %reduce_max3A_96 = vector.multi_reduction <maximumf>, %add3A_95, %reduce_max3A [1] : vector<1000x16xf32> to vector<1000xf32>
    %broadcast_in_dim3A_97 = vector.shape_cast %reduce_max3A_96 : vector<1000xf32> to vector<1000x1xf32>
    %sub3A_98 = vector.broadcast %broadcast_in_dim3A_97 : vector<1000x1xf32> to vector<1000x16xf32>
    %sub3A_99 = arith.subf %add3A_95, %sub3A_98 : vector<1000x16xf32>
    %sub3A_100 = vector.broadcast %broadcast_in_dim3A_97 : vector<1000x1xf32> to vector<1000x16xf32>
    %sub3A_101 = arith.subf %add3A_95, %sub3A_100 : vector<1000x16xf32>
    %exp3A_102 = math.exp %sub3A_101 : vector<1000x16xf32>
    %reduce_sum3A = arith.constant dense<0.000000e+00> : vector<1000xf32>
    %reduce_sum3A_103 = vector.multi_reduction <add>, %exp3A_102, %reduce_sum3A [1] : vector<1000x16xf32> to vector<1000xf32>
    %broadcast_in_dim3A_104 = vector.shape_cast %reduce_sum3A_103 : vector<1000xf32> to vector<1000x1xf32>
    %log3A = math.log %broadcast_in_dim3A_104 : vector<1000x1xf32>
    %sub3A_105 = vector.broadcast %log3A : vector<1000x1xf32> to vector<1000x16xf32>
    %sub3A_106 = arith.subf %sub3A_99, %sub3A_105 : vector<1000x16xf32>
    %swap3A = arith.constant 0 : index
    %swap3A_107 = arith.constant 0 : index
    %swap3A_108 = vector.load %arg7[%swap3A, %swap3A_107] : memref<1000x16xf32, #tpu.memory_space<vmem>>, vector<1000x16xf32>
    tpu.vector_store %arg7[%swap3A, %swap3A_107], %sub3A_106 {strides = array<i32>} : memref<1000x16xf32, #tpu.memory_space<vmem>>, vector<1000x16xf32>,
    return
  }
  func.func @transform_0(%arg0: i32) -> (i32, i32) {
    %c0_i32 = arith.constant 0 : i32
    %c0_i32_0 = arith.constant 0 : i32
    return %arg0, %c0_i32 : i32, i32
  }
  func.func @transform_1(%arg0: i32) -> (i32, i32, i32) {
    %add3A = arith.constant 0 : i32
    %add3A_0 = arith.addi %add3A, %arg0 : i32
    %c0_i32 = arith.constant 0 : i32
    %c0_i32_1 = arith.constant 0 : i32
    %c0_i32_2 = arith.constant 0 : i32
    return %c0_i32, %add3A_0, %c0_i32_1 : i32, i32, i32
  }
  func.func @transform_2(%arg0: i32) -> (i32, i32) {
    %c0_i32 = arith.constant 0 : i32
    %c0_i32_0 = arith.constant 0 : i32
    %c0_i32_1 = arith.constant 0 : i32
    return %c0_i32, %c0_i32_0 : i32, i32
  }
  func.func @transform_3(%arg0: i32) -> (i32, i32) {
    %c0_i32 = arith.constant 0 : i32
    %c0_i32_0 = arith.constant 0 : i32
    %c0_i32_1 = arith.constant 0 : i32
    return %c0_i32, %c0_i32_0 : i32, i32
  }
  func.func @transform_4(%arg0: i32) -> (i32, i32) {
    %c0_i32 = arith.constant 0 : i32
    %c0_i32_0 = arith.constant 0 : i32
    %c0_i32_1 = arith.constant 0 : i32
    return %c0_i32, %c0_i32_0 : i32, i32
  }
  func.func @transform_5(%arg0: i32) -> (i32, i32) {
    %c0_i32 = arith.constant 0 : i32
    %c0_i32_0 = arith.constant 0 : i32
    %c0_i32_1 = arith.constant 0 : i32
    return %c0_i32, %c0_i32_0 : i32, i32
  }
  func.func @transform_6(%arg0: i32) -> (i32, i32) {
    %c0_i32 = arith.constant 0 : i32
    %c0_i32_0 = arith.constant 0 : i32
    return %arg0, %c0_i32 : i32, i32
  }
}

module attributes {stable_mosaic.version = 14 : i64} {
  func.func @body(%arg0: i32, %arg1: memref<1000x128xf32, #tpu.memory_space<vmem>>, %arg2: memref<3x1000x128xf32, #tpu.memory_space<vmem>>, %arg3: memref<128x128xf32, #tpu.memory_space<vmem>>, %arg4: memref<1x128xf32, #tpu.memory_space<vmem>>, %arg5: memref<128x16xf32, #tpu.memory_space<vmem>>, %arg6: memref<1x16xf32, #tpu.memory_space<vmem>>, %arg7: memref<1000x16xf32, #tpu.memory_space<vmem>>) attributes {dimension_semantics = [#tpu.dimension_semantics<arbitrary>], iteration_bounds = array<i64: 50>, scalar_prefetch = 0 : i64, scratch_operands = 0 : i64, tpu.core_type = #tpu.core_type<tc>, window_params = [{transform_indices = @transform_0, window_bounds = array<i64: 1000, 128>}, {transform_indices = @transform_1, window_bounds = array<i64: 3, 1000, 128>}, {pipeline_mode = #tpu.pipeline_mode<synchronous>, transform_indices = @transform_2, window_bounds = array<i64: 128, 128>}, {pipeline_mode = #tpu.pipeline_mode<synchronous>, transform_indices = @transform_3, window_bounds = array<i64: 1, 128>}, {pipeline_mode = #tpu.pipeline_mode<synchronous>, transform_indices = @transform_4, window_bounds = array<i64: 128, 16>}, {pipeline_mode = #tpu.pipeline_mode<synchronous>, transform_indices = @transform_5, window_bounds = array<i64: 1, 16>}, {transform_indices = @transform_6, window_bounds = array<i64: 1000, 16>}]} {
    %get3A = arith.constant 0 : index
    %get3A_0 = arith.constant 0 : index
    %get3A_1 = vector.load %arg1[%get3A, %get3A_0] : memref<1000x128xf32, #tpu.memory_space<vmem>>, vector<1000x128xf32>
    %get3A_2 = arith.constant 0 : index
    %get3A_3 = arith.constant 0 : index
    %get3A_4 = arith.constant 0 : index
    %get3A_5 = vector.load %arg2[%get3A_2, %get3A_3, %get3A_4] : memref<3x1000x128xf32, #tpu.memory_space<vmem>>, vector<1x1000x128xf32>
    %get3A_6 = vector.shape_cast %get3A_5 : vector<1x1000x128xf32> to vector<1000x128xf32>
    %get3A_7 = arith.constant 1 : index
    %get3A_8 = arith.constant 0 : index
    %get3A_9 = arith.constant 0 : index
    %get3A_10 = vector.load %arg2[%get3A_7, %get3A_8, %get3A_9] : memref<3x1000x128xf32, #tpu.memory_space<vmem>>, vector<1x1000x128xf32>
    %get3A_11 = vector.shape_cast %get3A_10 : vector<1x1000x128xf32> to vector<1000x128xf32>
    %get3A_12 = arith.constant 2 : index
    %get3A_13 = arith.constant 0 : index
    %get3A_14 = arith.constant 0 : index
    %get3A_15 = vector.load %arg2[%get3A_12, %get3A_13, %get3A_14] : memref<3x1000x128xf32, #tpu.memory_space<vmem>>, vector<1x1000x128xf32>
    %get3A_16 = vector.shape_cast %get3A_15 : vector<1x1000x128xf32> to vector<1000x128xf32>
    %broadcast_in_dim3A = arith.constant 1.000000e+00 : f32
    %broadcast_in_dim3A_17 = vector.broadcast %broadcast_in_dim3A : f32 to vector<128x1xf32>
    %mul3A = arith.mulf %get3A_1, %get3A_1 : vector<1000x128xf32>
    %dot_general3A = arith.constant dense<0.000000e+00> : vector<1000x1xf32>
    %dot_general3A_18 = tpu.matmul %mul3A, %broadcast_in_dim3A_17, %dot_general3A {dimension_numbers = #tpu.dot_dimension_numbers<[1], [0], [0], [1], [0, 0, 1, 1], [], []>, transpose_lhs_hint = false} : vector<1000x128xf32>, vector<128x1xf32>, vector<1000x1xf32> -> vector<1000x1xf32>
    %mul3A_19 = arith.mulf %get3A_1, %get3A_6 : vector<1000x128xf32>
    %dot_general3A_20 = arith.constant dense<0.000000e+00> : vector<1000x1xf32>
    %dot_general3A_21 = tpu.matmul %mul3A_19, %broadcast_in_dim3A_17, %dot_general3A_20 {dimension_numbers = #tpu.dot_dimension_numbers<[1], [0], [0], [1], [0, 0, 1, 1], [], []>, transpose_lhs_hint = false} : vector<1000x128xf32>, vector<128x1xf32>, vector<1000x1xf32> -> vector<1000x1xf32>
    %mul3A_22 = arith.mulf %get3A_1, %get3A_11 : vector<1000x128xf32>
    %dot_general3A_23 = arith.constant dense<0.000000e+00> : vector<1000x1xf32>
    %dot_general3A_24 = tpu.matmul %mul3A_22, %broadcast_in_dim3A_17, %dot_general3A_23 {dimension_numbers = #tpu.dot_dimension_numbers<[1], [0], [0], [1], [0, 0, 1, 1], [], []>, transpose_lhs_hint = false} : vector<1000x128xf32>, vector<128x1xf32>, vector<1000x1xf32> -> vector<1000x1xf32>
    %mul3A_25 = arith.mulf %get3A_1, %get3A_16 : vector<1000x128xf32>
    %dot_general3A_26 = arith.constant dense<0.000000e+00> : vector<1000x1xf32>
    %dot_general3A_27 = tpu.matmul %mul3A_25, %broadcast_in_dim3A_17, %dot_general3A_26 {dimension_numbers = #tpu.dot_dimension_numbers<[1], [0], [0], [1], [0, 0, 1, 1], [], []>, transpose_lhs_hint = false} : vector<1000x128xf32>, vector<128x1xf32>, vector<1000x1xf32> -> vector<1000x1xf32>
    %sqrt3A = math.sqrt %dot_general3A_18 : vector<1000x1xf32>
    %max3A = arith.constant 9.99999996E-13 : f32
    %max3A_28 = vector.broadcast %max3A : f32 to vector<1000x1xf32>
    %max3A_29 = arith.maximumf %sqrt3A, %max3A_28 : vector<1000x1xf32>
    %div3A = arith.constant 1.000000e+00 : f32
    %div3A_30 = vector.broadcast %div3A : f32 to vector<1000x1xf32>
    %div3A_31 = arith.divf %div3A_30, %max3A_29 : vector<1000x1xf32>
    %mul3A_32 = arith.mulf %dot_general3A_18, %div3A_31 : vector<1000x1xf32>
    %mul3A_33 = arith.mulf %mul3A_32, %div3A_31 : vector<1000x1xf32>
    %mul3A_34 = arith.constant 0.0883883461 : f32
    %mul3A_35 = vector.broadcast %mul3A_34 : f32 to vector<1000x1xf32>
    %mul3A_36 = arith.mulf %mul3A_33, %mul3A_35 : vector<1000x1xf32>
    %mul3A_37 = arith.constant 0.0883883461 : f32
    %mul3A_38 = vector.broadcast %mul3A_37 : f32 to vector<1000x1xf32>
    %mul3A_39 = arith.mulf %div3A_31, %mul3A_38 : vector<1000x1xf32>
    %mul3A_40 = arith.mulf %dot_general3A_21, %mul3A_39 : vector<1000x1xf32>
    %mul3A_41 = arith.mulf %dot_general3A_24, %mul3A_39 : vector<1000x1xf32>
    %mul3A_42 = arith.mulf %dot_general3A_27, %mul3A_39 : vector<1000x1xf32>
    %max3A_43 = arith.maximumf %mul3A_36, %mul3A_40 : vector<1000x1xf32>
    %max3A_44 = arith.maximumf %mul3A_41, %mul3A_42 : vector<1000x1xf32>
    %max3A_45 = arith.maximumf %max3A_43, %max3A_44 : vector<1000x1xf32>
    %sub3A = arith.subf %mul3A_36, %max3A_45 : vector<1000x1xf32>
    %exp3A = math.exp %sub3A : vector<1000x1xf32>
    %sub3A_46 = arith.subf %mul3A_40, %max3A_45 : vector<1000x1xf32>
    %exp3A_47 = math.exp %sub3A_46 : vector<1000x1xf32>
    %sub3A_48 = arith.subf %mul3A_41, %max3A_45 : vector<1000x1xf32>
    %exp3A_49 = math.exp %sub3A_48 : vector<1000x1xf32>
    %sub3A_50 = arith.subf %mul3A_42, %max3A_45 : vector<1000x1xf32>
    %exp3A_51 = math.exp %sub3A_50 : vector<1000x1xf32>
    %add3A = arith.addf %exp3A, %exp3A_47 : vector<1000x1xf32>
    %add3A_52 = arith.addf %add3A, %exp3A_49 : vector<1000x1xf32>
    %add3A_53 = arith.addf %add3A_52, %exp3A_51 : vector<1000x1xf32>
    %div3A_54 = arith.constant 1.000000e+00 : f32
    %div3A_55 = vector.broadcast %div3A_54 : f32 to vector<1000x1xf32>
    %div3A_56 = arith.divf %div3A_55, %add3A_53 : vector<1000x1xf32>
    %mul3A_57 = arith.mulf %exp3A, %div3A_31 : vector<1000x1xf32>
    %mul3A_58 = arith.mulf %mul3A_57, %div3A_56 : vector<1000x1xf32>
    %mul3A_59 = vector.broadcast %mul3A_58 : vector<1000x1xf32> to vector<1000x128xf32>
    %mul3A_60 = arith.mulf %mul3A_59, %get3A_1 : vector<1000x128xf32>
    %mul3A_61 = arith.mulf %exp3A_47, %div3A_56 : vector<1000x1xf32>
    %mul3A_62 = vector.broadcast %mul3A_61 : vector<1000x1xf32> to vector<1000x128xf32>
    %mul3A_63 = arith.mulf %mul3A_62, %get3A_6 : vector<1000x128xf32>
    %add3A_64 = arith.addf %mul3A_60, %mul3A_63 : vector<1000x128xf32>
    %mul3A_65 = arith.mulf %exp3A_49, %div3A_56 : vector<1000x1xf32>
    %mul3A_66 = vector.broadcast %mul3A_65 : vector<1000x1xf32> to vector<1000x128xf32>
    %mul3A_67 = arith.mulf %mul3A_66, %get3A_11 : vector<1000x128xf32>
    %add3A_68 = arith.addf %add3A_64, %mul3A_67 : vector<1000x128xf32>
    %mul3A_69 = arith.mulf %exp3A_51, %div3A_56 : vector<1000x1xf32>
    %mul3A_70 = vector.broadcast %mul3A_69 : vector<1000x1xf32> to vector<1000x128xf32>
    %mul3A_71 = arith.mulf %mul3A_70, %get3A_16 : vector<1000x128xf32>
    %add3A_72 = arith.addf %add3A_68, %mul3A_71 : vector<1000x128xf32>
    %get3A_73 = arith.constant 0 : index
    %get3A_74 = arith.constant 0 : index
    %get3A_75 = vector.load %arg3[%get3A_73, %get3A_74] : memref<128x128xf32, #tpu.memory_space<vmem>>, vector<128x128xf32>
    %dot_general3A_76 = arith.constant dense<0.000000e+00> : vector<1000x128xf32>
    %dot_general3A_77 = tpu.matmul %add3A_72, %get3A_75, %dot_general3A_76 {dimension_numbers = #tpu.dot_dimension_numbers<[1], [0], [0], [1], [0, 0, 1, 1], [], []>, transpose_lhs_hint = false} : vector<1000x128xf32>, vector<128x128xf32>, vector<1000x128xf32> -> vector<1000x128xf32>
    %get3A_78 = arith.constant 0 : index
    %get3A_79 = arith.constant 0 : index
    %get3A_80 = vector.load %arg4[%get3A_78, %get3A_79] : memref<1x128xf32, #tpu.memory_space<vmem>>, vector<1x128xf32>
    %add3A_81 = vector.broadcast %get3A_80 : vector<1x128xf32> to vector<1000x128xf32>
    %add3A_82 = arith.addf %dot_general3A_77, %add3A_81 : vector<1000x128xf32>
    %max3A_83 = arith.constant 0.000000e+00 : f32
    %max3A_84 = vector.broadcast %max3A_83 : f32 to vector<1000x128xf32>
    %max3A_85 = arith.maximumf %add3A_82, %max3A_84 : vector<1000x128xf32>
    %get3A_86 = arith.constant 0 : index
    %get3A_87 = arith.constant 0 : index
    %get3A_88 = vector.load %arg5[%get3A_86, %get3A_87] : memref<128x16xf32, #tpu.memory_space<vmem>>, vector<128x16xf32>
    %dot_general3A_89 = arith.constant dense<0.000000e+00> : vector<1000x16xf32>
    %dot_general3A_90 = tpu.matmul %max3A_85, %get3A_88, %dot_general3A_89 {dimension_numbers = #tpu.dot_dimension_numbers<[1], [0], [0], [1], [0, 0, 1, 1], [], []>, transpose_lhs_hint = false} : vector<1000x128xf32>, vector<128x16xf32>, vector<1000x16xf32> -> vector<1000x16xf32>
    %get3A_91 = arith.constant 0 : index
    %get3A_92 = arith.constant 0 : index
    %get3A_93 = vector.load %arg6[%get3A_91, %get3A_92] : memref<1x16xf32, #tpu.memory_space<vmem>>, vector<1x16xf32>
    %add3A_94 = vector.broadcast %get3A_93 : vector<1x16xf32> to vector<1000x16xf32>
    %add3A_95 = arith.addf %dot_general3A_90, %add3A_94 : vector<1000x16xf32>
    %reduce_max3A = arith.constant dense<0xFF800000> : vector<1000xf32>
    %reduce_max3A_96 = vector.multi_reduction <maximumf>, %add3A_95, %reduce_max3A [1] : vector<1000x16xf32> to vector<1000xf32>
    %broadcast_in_dim3A_97 = vector.shape_cast %reduce_max3A_96 : vector<1000xf32> to vector<1000x1xf32>
    %sub3A_98 = vector.broadcast %broadcast_in_dim3A_97 : vector<1000x1xf32> to vector<1000x16xf32>
    %sub3A_99 = arith.subf %add3A_95, %sub3A_98 : vector<1000x16xf32>
    %sub3A_100 = vector.broadcast %broadcast_in_dim3A_97 : vector<1000x1xf32> to vector<1000x16xf32>
    %sub3A_101 = arith.subf %add3A_95, %sub3A_100 : vector<1000x16xf32>
    %exp3A_102 = math.exp %sub3A_101 : vector<1000x16xf32>
    %reduce_sum3A = arith.constant dense<0.000000e+00> : vector<1000xf32>
    %reduce_sum3A_103 = vector.multi_reduction <add>, %exp3A_102, %reduce_sum3A [1] : vector<1000x16xf32> to vector<1000xf32>
    %broadcast_in_dim3A_104 = vector.shape_cast %reduce_sum3A_103 : vector<1000xf32> to vector<1000x1xf32>
    %log3A = math.log %broadcast_in_dim3A_104 : vector<1000x1xf32>
    %sub3A_105 = vector.broadcast %log3A : vector<1000x1xf32> to vector<1000x16xf32>
    %sub3A_106 = arith.subf %sub3A_99, %sub3A_105 : vector<1000x16xf32>
    %swap3A = arith.constant 0 : index
    %swap3A_107 = arith.constant 0 : index
    %swap3A_108 = vector.load %arg7[%swap3A, %swap3A_107] : memref<1000x16xf32, #tpu.memory_space<vmem>>, vector<1000x16xf32>
    tpu.vector_store %arg7[%swap3A, %swap3A_107], %sub3A_106 {strides = array<i32>} : memref<1000x16xf32, #tpu.memory_space<vmem>>, vector<1000x16xf32>,
    return
  }
  func.func @transform_0(%arg0: i32) -> (i32, i32) {
    %c0_i32 = arith.constant 0 : i32
    %c0_i32_0 = arith.constant 0 : i32
    return %arg0, %c0_i32 : i32, i32
  }
  func.func @transform_1(%arg0: i32) -> (i32, i32, i32) {
    %add3A = arith.constant 50 : i32
    %add3A_0 = arith.addi %add3A, %arg0 : i32
    %c0_i32 = arith.constant 0 : i32
    %c0_i32_1 = arith.constant 0 : i32
    %c0_i32_2 = arith.constant 0 : i32
    return %c0_i32, %add3A_0, %c0_i32_1 : i32, i32, i32
  }
  func.func @transform_2(%arg0: i32) -> (i32, i32) {
    %c0_i32 = arith.constant 0 : i32
    %c0_i32_0 = arith.constant 0 : i32
    %c0_i32_1 = arith.constant 0 : i32
    return %c0_i32, %c0_i32_0 : i32, i32
  }
  func.func @transform_3(%arg0: i32) -> (i32, i32) {
    %c0_i32 = arith.constant 0 : i32
    %c0_i32_0 = arith.constant 0 : i32
    %c0_i32_1 = arith.constant 0 : i32
    return %c0_i32, %c0_i32_0 : i32, i32
  }
  func.func @transform_4(%arg0: i32) -> (i32, i32) {
    %c0_i32 = arith.constant 0 : i32
    %c0_i32_0 = arith.constant 0 : i32
    %c0_i32_1 = arith.constant 0 : i32
    return %c0_i32, %c0_i32_0 : i32, i32
  }
  func.func @transform_5(%arg0: i32) -> (i32, i32) {
    %c0_i32 = arith.constant 0 : i32
    %c0_i32_0 = arith.constant 0 : i32
    %c0_i32_1 = arith.constant 0 : i32
    return %c0_i32, %c0_i32_0 : i32, i32
  }
  func.func @transform_6(%arg0: i32) -> (i32, i32) {
    %c0_i32 = arith.constant 0 : i32
    %c0_i32_0 = arith.constant 0 : i32
    return %arg0, %c0_i32 : i32, i32
  }
}

</mosaic_0001>

<sc_bundles>
// kernel: kernel.6.cloned.1.call-start
scs
__scs_entry_jumppad:
0x0: {  	(pc) =	sbr.rel $0x88, $3  }
0x1: {  	(tag) =	ssettag $0x0;
	lr =	simm.s32 $0x1  }
0x2: {  	[smem:$0x3F9A] =	sst lr;
	_ =	strace $0xD0000000  }
0x3: {  	_ = 	snop  }
0x4: {  	_ = 	snop  }
0x5: {  	_ = 	snop  }
0x6: {  	_ = 	snop  }
0x7: {  	_ = 	snop  }
__scs_overlays_trampoline_lowered:
0x8: {  	[smem:$0x3FA9] =	sst s0  }
0x9: {  	[smem:$0x3FAA] =	sst s1  }
0xa: {  	[smem:$0x3FAB] =	sst s2  }
0xb: {  	[smem:$0x3FAC] =	sst s3  }
0xc: {  	[smem:$0x3FAD] =	sst s4  }
0xd: {  	[smem:$0x3FAE] =	sst s5  }
0xe: {  	[smem:$0x3FAF] =	sst s6  }
0xf: {  	[smem:$0x3FB0] =	sst s7  }
0x10: {  	[smem:$0x3FB1] =	sst s8  }
0x11: {  	[smem:$0x3FB2] =	sst s9;
	s0 =	simm.s32 @!p0 $0x0  }
0x12: {  	s1 =	sld [smem:$0x3F98];
	s0 =	simm.s32 @p0 $0x1  }
0x13: {  	[smem:$0x3FB3] =	sst s0;
	s0 =	simm.s32 @!p1 $0x0  }
0x14: {  	s2 =	sld [smem:$0x3F97];
	s0 =	simm.s32 @p1 $0x1  }
0x15: {  	[smem:$0x3FB4] =	sst s0;
	s0 =	simm.s32 @!p2 $0x0  }
0x16: {  	s3 =	sld [smem:$0x3FDB];
	s0 =	simm.s32 @p2 $0x1  }
0x17: {  	s4 =	simm.s32 $0x1BF5;
	[smem:$0x3FB6] =	sst s0  }
0x18: {  	s0 =	sld [smem:$0x3F99];
	_ =	swait.ge [sflag:s4], $0x0  }
0x19: {  	s7 =	sld [smem:$0x3F9A]  }
0x1a: {  	s8 =	sadd.s32 $0xFFFFE003, lr  }
0x1b: {  	s9 =	sadd.s32 $0xFFFFFEF7, lr;
	s5 =	simm.s32 $0xFFFFFFFF;
	p2 =	slt.u32 s8, $0xFFFFF086  }
0x1c: {  	p1 =	slt.u32 s9, $0xF7A;
	s5 =	simm.s32 @!p2 $0x0  }
0x1d: {  	s5 =	simm.s32 @p1 $0x1;
	p0 =	seq.s32 s7, s2  }
0x1e: {  	s7 =	smul.u32 @!p0 $0xF7A, s2;
	p2 =	seq.s32 @!p0 s5, $0x0  }
0x1f: {  	s9 =	smul.u32 $0xF7A, s1;
	s8 =	simm.s32 @!p0 $0x1BF5;
	p2 =	por !p2, p0  }
0x20: {  	[sflag:s8] =	ssyncset.s32 @!p0 $0xFFFFF086;
	s6 =	sadd.s32 @!p0 s3, s7;
	s7 =	simm.s32 @!p0 $0x108  }
0x21: {  	s3 =	sadd.s32 s3, s9;
	s6 =	sadd.s32 @!p0 $0x88, s6;
	s7 =	simm.s32 @p2 $0x1082  }
0x22: {  	[simem:s7], [sflag:s8] =	dma.local @!p0 [hbm:s6], $0xF7A  }
0x23: {  	s9 =	sor.u32 $0xD0000000, s2;
	s6 =	simm.s32 $0x108;
	_ =	swait.ge @!p0 [sflag:s8], $0x0  }
0x24: {  	s3 =	sadd.s32 $0x88, s3;
	s6 =	simm.s32 @!p1 $0x1082;
	[sflag:s4] =	ssyncset.s32 $0xFFFFF086  }
0x25: {  	[simem:s6], [sflag:s4] =	dma.local [hbm:s3], $0xF7A  }
0x26: {  	[smem:$0x3F9A] =	sst s1;
	(tag) =	ssettag s2;
	_ =	strace s9  }
0x27: {  	s1 =	sld [smem:$0x3FAA]  }
0x28: {  	s2 =	sld [smem:$0x3FAB]  }
0x29: {  	s4 =	sld [smem:$0x3FAD]  }
0x2a: {  	p0 =	seq.s32 s5, $0x0;
	s5 =	sld [smem:$0x3FAE]  }
0x2b: {  	s6 =	sld [smem:$0x3FAF]  }
0x2c: {  	s7 =	sld [smem:$0x3FB0]  }
0x2d: {  	s3 =	simm.s32 $0x108;
	s8 =	sld [smem:$0x3FB1]  }
0x2e: {  	s3 =	simm.s32 @!p0 $0x1082;
	s9 =	sld [smem:$0x3FB2]  }
0x2f: {  	lr =	sadd.s32 s0, s3;
	s0 =	sld [smem:$0x3FA9]  }
0x30: {  	s3 =	sld [smem:$0x3FAC]  }
0x31: {  	[smem:$0x3FB5] =	sst s10  }
0x32: {  	s10 =	sld [smem:$0x3FB3];
	_ =	sdelay $0x3  }
0x33: {  	p0 =	seq.s32 s10, $0x1;
	s10 =	sld [smem:$0x3FB5];
	_ =	sdelay $0x3  }
0x34: {  	[smem:$0x3FB5] =	sst s10  }
0x35: {  	s10 =	sld [smem:$0x3FB4];
	_ =	sdelay $0x3  }
0x36: {  	p1 =	seq.s32 s10, $0x1;
	s10 =	sld [smem:$0x3FB5];
	_ =	sdelay $0x3  }
0x37: {  	[smem:$0x3FB5] =	sst s10  }
0x38: {  	s10 =	sld [smem:$0x3FB6]  }
0x39: {  	_ = 	snop;
	(pc) =	sbr.ind lr, $3  }
0x3a: {  	_ = 	snop  }
0x3b: {  	_ = 	snop  }
0x3c: {  	p2 =	seq.s32 s10, $0x1;
	s10 =	sld [smem:$0x3FB5]  }
0x3d: {  	_ =	shalt  }
0x3e: {  	_ =	shalt  }
0x3f: {  	_ =	shalt  }
0x40: {  	_ =	shalt  }
0x41: {  	_ =	shalt  }
0x42: {  	_ =	shalt  }
0x43: {  	_ =	shalt  }
0x44: {  	_ =	shalt  }
0x45: {  	_ =	shalt  }
0x46: {  	_ =	shalt  }
0x47: {  	_ =	shalt  }
0x48: {  	_ =	shalt  }
0x49: {  	_ =	shalt  }
0x4a: {  	_ =	shalt  }
0x4b: {  	_ =	shalt  }
0x4c: {  	_ =	shalt  }
0x4d: {  	_ =	shalt  }
0x4e: {  	_ =	shalt  }
0x4f: {  	_ =	shalt  }
0x50: {  	_ =	shalt  }
0x51: {  	_ =	shalt  }
0x52: {  	_ =	shalt  }
0x53: {  	_ =	shalt  }
0x54: {  	_ =	shalt  }
0x55: {  	_ =	shalt  }
0x56: {  	_ =	shalt  }
0x57: {  	_ =	shalt  }
0x58: {  	_ =	shalt  }
0x59: {  	_ =	shalt  }
0x5a: {  	_ =	shalt  }
0x5b: {  	_ =	shalt  }
0x5c: {  	_ =	shalt  }
0x5d: {  	_ =	shalt  }
0x5e: {  	_ =	shalt  }
0x5f: {  	_ =	shalt  }
0x60: {  	_ =	shalt  }
0x61: {  	_ =	shalt  }
0x62: {  	_ =	shalt  }
0x63: {  	_ =	shalt  }
0x64: {  	_ =	shalt  }
0x65: {  	_ =	shalt  }
0x66: {  	_ =	shalt  }
0x67: {  	_ =	shalt  }
0x68: {  	_ =	shalt  }
0x69: {  	_ =	shalt  }
0x6a: {  	_ =	shalt  }
0x6b: {  	_ =	shalt  }
0x6c: {  	_ =	shalt  }
0x6d: {  	_ =	shalt  }
0x6e: {  	_ =	shalt  }
0x6f: {  	_ =	shalt  }
0x70: {  	_ =	shalt  }
0x71: {  	_ =	shalt  }
0x72: {  	_ =	shalt  }
0x73: {  	_ =	shalt  }
0x74: {  	_ =	shalt  }
0x75: {  	_ =	shalt  }
0x76: {  	_ =	shalt  }
0x77: {  	_ =	shalt  }
0x78: {  	_ =	shalt  }
0x79: {  	_ =	shalt  }
0x7a: {  	_ =	shalt  }
0x7b: {  	_ =	shalt  }
0x7c: {  	_ =	shalt  }
0x7d: {  	_ =	shalt  }
0x7e: {  	_ =	shalt  }
0x7f: {  	_ =	shalt  }
0x80: {  	_ =	shalt  }
0x81: {  	_ =	shalt  }
0x82: {  	_ =	shalt  }
0x83: {  	_ =	shalt  }
0x84: {  	_ =	shalt  }
0x85: {  	_ =	shalt  }
0x86: {  	_ =	shalt  }
0x87: {  	_ =	shalt  }
.Lfunc_end0:
.L_simem_size_0:
called_computation_lowered:
.L_overlay_start_0:
0x88: {  	s2 =	sld [smem:$0x3FD9]  }
0x89: {  	s3 =	sld [smem:$0x3FFE];
	_ =	sdelay $0x1  }
0x8a: {  	s1 =	srdreg.scid  }
0x8b: {  	s0 =	sand.u32 $0x1, s1  }
0x8c: {  	s17 =	sshll.u32 s0, $0xA;
	s2 =	sadd.s32 s3, s2  }
0x8d: {  	s2 =	sadd.s32 s2, s17  }
0x8e: {  	[smem:$0x3FC1] =	sst s2  }
0x8f: {  	_ = 	snop  }
0x90: {  	s2 =	sld [smem:$0x3FC9]  }
0x91: {  	s18 =	sld [smem:$0x3FD0];
	(tm) =	ssettm $0x1  }
0x92: {  	s4 =	sld [smem:$0x3FFB];
	_ =	sdelay $0x3  }
0x93: {  	_ =	strace s4  }
0x94: {  	s4 =	sld [smem:$0x3FFC];
	_ =	sdelay $0x3  }
0x95: {  	_ =	strace s4  }
0x96: {  	s4 =	sld [smem:$0x3FFD];
	_ =	sdelay $0x3  }
0x97: {  	_ =	strace s4  }
0x98: {  	_ =	strace $0x8FFFFFFF  }
0x99: {  	s19 =	sld [smem:$0x3FDB];
	_ =	sdelay $0x1  }
0x9a: {  	s5 =	simm.s32 $_scs_section_size  }
0x9b: {  	s6 =	simm.s32 $_size__tile_overlayer_lowered;
	s7 =	simm.s32 $_tile_overlayer_lowered  }
0x9c: {  	s22 =	simm.s32 $0x1BFF;
	s21 =	sshll.u32 s7, $0x1;
	s4 =	sadd.s32 s5, s19  }
0x9d: {  	s8 =	simm.s32 $0x0;
	s20 =	sshll.u32 s6, $0x1;
	s6 =	sadd.s32 s21, s4  }
0x9e: {  	[timem:s8], [sflag:s22] =	dma.local [hbm:s6], s20  }
0x9f: {  	_ =	swait.ge [sflag:s22], s20  }
0xa0: {  	s5 =	ssub.s32 $0x0, s20;
	[sflag:s22] =	ssyncset.done $0x0  }
0xa1: {  	[sflag:s22] =	ssyncadd.s32 s5;
	_ =	sdelay $0x1  }
0xa2: {  	s23 =	simm.s32 $0x1B8B  }
0xa3: {  	_ =	swait.ge [sflag:s23], $0x1  }
0xa4: {  	[sflag:s23] =	ssyncset.done $0x0  }
0xa5: {  	s25 =	simm.s32 $0x1B8E;
	s24 =	sld [smem:$0x3FFE];
	[sflag:s23] =	ssyncadd.s32 $0xFFFFFFFF  }
0xa6: {  	s26 =	simm.s32 $execute0_lowered;
	[smem:$0x3FD2] =	sst s25  }
0xa7: {  	s6 =	sshll.u32 s26, $0x1;
	_ =	strace $0x80000046;
	[dreg:$0x1] =	wrdreg $0xFFFFFFFF  }
0xa8: {  	s28 =	simm.s32 $_size_execute0_lowered;
	s4 =	sadd.s32 s4, s6;
	[dreg:$0x0] =	wrdreg $0x0  }
0xa9: {  	s6 =	sshll.u32 s28, $0x1;
	[dreg:$0x2] =	wrdreg s4  }
0xaa: {  	[dreg:$0x3] =	wrdreg s6  }
0xab: {  	[dreg:$0x4] =	wrdreg $0xC0  }
0xac: {  	_ =	task [dreg:s8], $0x5FFFF  }
0xad: {  	[dreg:$0x1] =	wrdreg $0xFFFFFFFF  }
0xae: {  	[dreg:$0x0] =	wrdreg $0x60  }
0xaf: {  	[dreg:$0x2] =	wrdreg s2  }
0xb0: {  	[dreg:$0x3] =	wrdreg s18  }
0xb1: {  	[dreg:$0x4] =	wrdreg s24  }
0xb2: {  	[dreg:$0x5] =	wrdreg $0x9  }
0xb3: {  	_ =	task.clear_ibuf [dreg:s8], $0x6FFFF;
	_ =	strace $0x90000046  }
0xb4: {  	s29 =	simm.s32 $0x9;
	_ =	strace $0x80000048  }
0xb5: {  	_ =	swait.ge [sflag:s29], $0x1  }
0xb6: {  	[sflag:s29] =	ssyncadd.s32 $0xFFFFFFFF  }
0xb7: {  	_ =	strace $0x90000048  }
0xb8: {  	_ =	sfence  }
0xb9: {  	s30 =	sld [smem:$0x0];
	_ =	sdelay $0x2  }
0xba: {  	s31 =	sshll.u32 s1, $0xD;
	s1 =	sshrl.u32 s1, $0x2  }
0xbb: {  	s3 =	sand.u32 $0x4000, s31;
	s1 =	sadd.s32 s1, s30  }
0xbc: {  	s0 =	sor.u32 s3, s0;
	s1 =	sshll.u32 s1, $0x11  }
0xbd: {  	s0 =	sor.u32 s1, s0  }
0xbe: {  	s0 =	sadd.s32 $0x8F2B, s0  }
0xbf: {  	[sflag:s0] =	ssyncadd.remote.s32 $0x1  }
0xc0: {  	_ =	sfence.sel $0xFFFF  }
0xc1: {  	[dreg:$0x0] =	wrdreg $0xFFFFFFFF;
	(pc) =	sbr.abs _section_cstart, $3  }
0xc2: {  	[dreg:$0x1] =	wrdreg $0xFFFFFFFF  }
0xc3: {  	_ =	task.clear_ibuf [dreg:s8], $0x2FFFF;
	_ =	strace $0x9FFFFFFF  }
0xc4: {  	(tm) =	ssettm $0x7FFFFFFF  }
0xc5: {  	_ =	shalt  }
tec
execute0_lowered:
.L_overlay_start_1:
0x0: {  	(tag) =	ssettag $0x1  }
0x1: {  	s1 =	rddreg [dreg:$0x0]  }
0x2: {  	s2 =	srdreg.scid;
	s0 =	stileid.u32  }
0x3: {  	s4 =	rddreg [dreg:$0x1];
	s18 =	sand.u32 $0x1, s2;
	s30 =	sshll.u32 s0, $0x1  }
0x4: {  	s9 =	rddreg [dreg:$0x2];
	s10 =	sor.u32 s18, s30  }
0x5: {  	s3 =	simm.s32 $0x0;
	s2 =	rddreg [dreg:$0x3];
	s5 =	smul.u32 $0xC8, s10  }
0x6: {  	[smem:$0x7FF] =	sst s3  }
0x7: {  	_ =	strace $0x80000047;
	s4 =	sadd.s32 s4, s5;
	s5 =	simm.s32 $0x5  }
0x8: {  	[tilespmem:s3], [sflag:$0x5] =	stream.linear.gather [hbm4b:s4+s3], $0x640, $0x38;
	[tilespmem:$0x19680] =	vst v63  }
0x9: {  	_ =	swait.ge [sflag:s5], $0x640  }
0xa: {  	s6 =	simm.s32 $0x190;
	[sflag:s5] =	ssyncset.done $0x0  }
0xb: {  	s7 =	simm.s32 $0x680;
	s8 =	simm.s32 $0x1;
	[sflag:s5] =	ssyncadd.s32 $0xFFFFF9C0  }
0xc: {  	[tilespmem:s7], [sflag:$0x1] =	stream.indirect.gather [hbm4b:s1+s6], $0x80, s3, s6, $0xb8;
	[tilespmem:$0x19680] =	vst v63  }
0xd: {  	s11 =	smul.u32 $0x6400, s10;
	_ =	swait.ge [sflag:s8], $0xC800  }
0xe: {  	s12 =	sadd.s32 $0x2E00, s9;
	[sflag:s8] =	ssyncset.done $0x0  }
0xf: {  	s9 =	sadd.s32 s12, s11;
	[sflag:s8] =	ssyncadd.s32 $0xFFFF3800  }
0x10: {  	[hbm4b:s9+s3] =	stream.linear.scatter [tilespmem:s7], [sflag:$0x3], $0xC800, $0x38;
	[tilespmem:$0x19680] =	vst v63  }
0x11: {  	s13 =	smul.u32 $0x32000, s10;
	s10 =	simm.s32 $0xCE80;
	s11 =	simm.s32 $0x2  }
0x12: {  	[tilespmem:s10], [sflag:$0x2] =	stream.indirect.gather [hbm4b:s1+s6], $0x80, s6, s6, $0xb8;
	[tilespmem:$0x19680] =	vst v63  }
0x13: {  	s13 =	sshrl.u32 s13, $0x3;
	_ =	swait.ge [sflag:s11], $0xC800  }
0x14: {  	s19 =	sadd.s32 s12, s13;
	[sflag:s11] =	ssyncset.done $0x0  }
0x15: {  	s13 =	simm.s32 $0x3;
	s12 =	sadd.s32 $0x1900, s19;
	[sflag:s11] =	ssyncadd.s32 $0xFFFF3800  }
0x16: {  	[hbm4b:s12+s3] =	stream.linear.scatter [tilespmem:s10], [sflag:$0x4], $0xC800, $0x38;
	[tilespmem:$0x19680] =	vst v63  }
0x17: {  	_ =	swait.ge [sflag:s13], $0xC800  }
0x18: {  	[sflag:s13] =	ssyncset.done $0x0  }
0x19: {  	s14 =	simm.s32 $0x320;
	[sflag:s13] =	ssyncadd.s32 $0xFFFF3800  }
0x1a: {  	[tilespmem:s7], [sflag:$0x1] =	stream.indirect.gather [hbm4b:s1+s6], $0x80, s14, s6, $0xb8;
	[tilespmem:$0x19680] =	vst v63  }
0x1b: {  	_ =	swait.ge [sflag:s8], $0xC800  }
0x1c: {  	[sflag:s8] =	ssyncset.done $0x0  }
0x1d: {  	s15 =	simm.s32 $0x4;
	s16 =	sadd.s32 $0x3200, s19;
	[sflag:s8] =	ssyncadd.s32 $0xFFFF3800  }
0x1e: {  	[hbm4b:s16+s3] =	stream.linear.scatter [tilespmem:s7], [sflag:$0x3], $0xC800, $0x38;
	[tilespmem:$0x19680] =	vst v63  }
0x1f: {  	_ =	swait.ge [sflag:s15], $0xC800  }
0x20: {  	s20 =	ssub.s32 $0x2, s18;
	[sflag:s15] =	ssyncset.done $0x0  }
0x21: {  	s17 =	simm.s32 $0x4B0;
	s31 =	sshrl.u32 s20, $0x1;
	[sflag:s15] =	ssyncadd.s32 $0xFFFF3800  }
0x22: {  	[tilespmem:s10], [sflag:$0x2] =	stream.indirect.gather [hbm4b:s1+s6], $0x80, s17, s6, $0xb8;
	[tilespmem:$0x19680] =	vst v63  }
0x23: {  	s18 =	sadd.s32 $0x4B00, s19;
	s19 =	ssub.s32 s20, s31;
	_ =	swait.ge [sflag:s11], $0xC800  }
0x24: {  	s19 =	smax.u32 s19, $0x1;
	[sflag:s11] =	ssyncset.done $0x0  }
0x25: {  	p0 =	sne.s32 s19, $0x1;
	[sflag:s11] =	ssyncadd.s32 $0xFFFF3800  }
0x26: {  	[hbm4b:s18+s3] =	stream.linear.scatter [tilespmem:s10], [sflag:$0x4], $0xC800, $0x38;
	[tilespmem:$0x19680] =	vst v63  }
.Ltmp0:
0x27: {  	_ =	swait.ge [sflag:s13], $0xC800;
	(pc) =	sbr.rel @!p0 .LBB2_2-.Ltmp0, $4  }
0x28: {  	[sflag:s13] =	ssyncset.done $0x0  }
0x29: {  	[sflag:s13] =	ssyncadd.s32 $0xFFFF3800  }
0x2a: {  	_ =	swait.ge [sflag:s15], $0xC800  }
0x2b: {  	s19 =	sadd.s32 $0xFFFFFFFF, s19;
	[sflag:s15] =	ssyncset.done $0x0  }
.LBB2_1:
0x2c: {  	p0 =	sne.s32 s19, $0x1;
	s19 =	sadd.s32 $0xFFFFFFFF, s19;
	[sflag:s15] =	ssyncadd.s32 $0xFFFF3800  }
0x2d: {  	[tilespmem:s3], [sflag:$0x5] =	stream.linear.gather [hbm4b:s4+s3], $0x640, $0x38;
	[tilespmem:$0x19680] =	vst v63  }
0x2e: {  	_ =	swait.ge [sflag:s5], $0x640  }
0x2f: {  	[sflag:s5] =	ssyncset.done $0x0  }
0x30: {  	[sflag:s5] =	ssyncadd.s32 $0xFFFFF9C0  }
0x31: {  	[tilespmem:s7], [sflag:$0x1] =	stream.indirect.gather [hbm4b:s1+s6], $0x80, s3, s6, $0xb8;
	[tilespmem:$0x19680] =	vst v63  }
0x32: {  	_ =	swait.ge [sflag:s8], $0xC800  }
0x33: {  	[sflag:s8] =	ssyncset.done $0x0  }
0x34: {  	[sflag:s8] =	ssyncadd.s32 $0xFFFF3800  }
0x35: {  	[hbm4b:s9+s3] =	stream.linear.scatter [tilespmem:s7], [sflag:$0x3], $0xC800, $0x38;
	[tilespmem:$0x19680] =	vst v63  }
0x36: {  	_ = 	snop  }
0x37: {  	[tilespmem:s10], [sflag:$0x2] =	stream.indirect.gather [hbm4b:s1+s6], $0x80, s6, s6, $0xb8;
	[tilespmem:$0x19680] =	vst v63  }
0x38: {  	_ =	swait.ge [sflag:s11], $0xC800  }
0x39: {  	[sflag:s11] =	ssyncset.done $0x0  }
0x3a: {  	[sflag:s11] =	ssyncadd.s32 $0xFFFF3800  }
0x3b: {  	[hbm4b:s12+s3] =	stream.linear.scatter [tilespmem:s10], [sflag:$0x4], $0xC800, $0x38;
	[tilespmem:$0x19680] =	vst v63  }
0x3c: {  	_ =	swait.ge [sflag:s13], $0xC800  }
0x3d: {  	[sflag:s13] =	ssyncset.done $0x0  }
0x3e: {  	[sflag:s13] =	ssyncadd.s32 $0xFFFF3800  }
0x3f: {  	[tilespmem:s7], [sflag:$0x1] =	stream.indirect.gather [hbm4b:s1+s6], $0x80, s14, s6, $0xb8;
	[tilespmem:$0x19680] =	vst v63  }
0x40: {  	_ =	swait.ge [sflag:s8], $0xC800  }
0x41: {  	[sflag:s8] =	ssyncset.done $0x0  }
0x42: {  	[sflag:s8] =	ssyncadd.s32 $0xFFFF3800  }
0x43: {  	[hbm4b:s16+s3] =	stream.linear.scatter [tilespmem:s7], [sflag:$0x3], $0xC800, $0x38;
	[tilespmem:$0x19680] =	vst v63  }
0x44: {  	_ =	swait.ge [sflag:s15], $0xC800  }
0x45: {  	[sflag:s15] =	ssyncset.done $0x0  }
0x46: {  	[sflag:s15] =	ssyncadd.s32 $0xFFFF3800  }
0x47: {  	[tilespmem:s10], [sflag:$0x2] =	stream.indirect.gather [hbm4b:s1+s6], $0x80, s17, s6, $0xb8;
	[tilespmem:$0x19680] =	vst v63  }
0x48: {  	_ =	swait.ge [sflag:s11], $0xC800  }
0x49: {  	[sflag:s11] =	ssyncset.done $0x0  }
0x4a: {  	[sflag:s11] =	ssyncadd.s32 $0xFFFF3800  }
0x4b: {  	[hbm4b:s18+s3] =	stream.linear.scatter [tilespmem:s10], [sflag:$0x4], $0xC800, $0x38;
	[tilespmem:$0x19680] =	vst v63  }
.Ltmp1:
0x4c: {  	_ =	swait.ge [sflag:s13], $0xC800;
	(pc) =	sbr.rel @p0 .LBB2_1-.Ltmp1, $4  }
0x4d: {  	[sflag:s13] =	ssyncset.done $0x0  }
0x4e: {  	[sflag:s13] =	ssyncadd.s32 $0xFFFF3800  }
0x4f: {  	_ =	swait.ge [sflag:s15], $0xC800  }
0x50: {  	[sflag:s15] =	ssyncset.done $0x0  }
.LBB2_2:
0x51: {  	[sflag:s15] =	ssyncadd.s32 $0xFFFF3800  }
0x52: {  	_ =	sfence.sel $0x180000  }
0x53: {  	[bflag:$0x0] =	sbarrier.arrive $0xFFFF  }
0x54: {  	p0 =	sne.s32 s0, $0x0;
	_ =	strace $0x90000047  }
0x55: {  	s0 =	sadd.s32 @!p0 $0x100000, s2;
	[bflag:$0x2] =	sbarrier.arrive $0xFFFF  }
0x56: {  	[sflag:s0] =	ssyncadd.tile.s32 @!p0 $0x1;
	_ =	shalt  }
.Lfunc_end2:
_tile_overlayer_lowered:
.L_overlay_start_2:
0x57: {  	(tag) =	ssettag $0x2  }
0x58: {  	s0 =	rddreg [dreg:$0x0];
	s2 =	stileid.u32  }
0x59: {  	s1 =	rddreg [dreg:$0x1];
	p0 =	sne.s32 s2, $0x0  }
0x5a: {  	s3 =	rddreg [dreg:$0x2];
	[bflag:$0x3] =	sbarrier.arrive $0xFFFF;
	s2 =	simm.s32 @!p0 $0x1C05  }
0x5b: {  	[timem:s3], [sflag:s2] =	dma.local @!p0 [hbm:s0], s1  }
0x5c: {  	s0 =	simm.s32 @!p0 $0x5  }
0x5d: {  	_ =	swait.ge @!p0 [sflag:s0], s1  }
0x5e: {  	s1 =	ssub.s32 @!p0 $0x0, s1;
	[sflag:s0] =	ssyncset.done @!p0 $0x0  }
0x5f: {  	[sflag:s0] =	ssyncadd.s32 @!p0 s1  }
0x60: {  	[bflag:$0x3] =	sbarrier.arrive $0xFFFF  }
0x61: {  	_ =	shalt  }

// kernel: kernel.9.cloned.1.call-start
scs
__scs_entry_jumppad:
0x0: {  	(pc) =	sbr.rel $0x88, $3  }
0x1: {  	(tag) =	ssettag $0x0;
	lr =	simm.s32 $0x1  }
0x2: {  	[smem:$0x3F9A] =	sst lr;
	_ =	strace $0xD0000000  }
0x3: {  	_ = 	snop  }
0x4: {  	_ = 	snop  }
0x5: {  	_ = 	snop  }
0x6: {  	_ = 	snop  }
0x7: {  	_ = 	snop  }
__scs_overlays_trampoline_lowered:
0x8: {  	[smem:$0x3FA9] =	sst s0  }
0x9: {  	[smem:$0x3FAA] =	sst s1  }
0xa: {  	[smem:$0x3FAB] =	sst s2  }
0xb: {  	[smem:$0x3FAC] =	sst s3  }
0xc: {  	[smem:$0x3FAD] =	sst s4  }
0xd: {  	[smem:$0x3FAE] =	sst s5  }
0xe: {  	[smem:$0x3FAF] =	sst s6  }
0xf: {  	[smem:$0x3FB0] =	sst s7  }
0x10: {  	[smem:$0x3FB1] =	sst s8  }
0x11: {  	[smem:$0x3FB2] =	sst s9;
	s0 =	simm.s32 @!p0 $0x0  }
0x12: {  	s1 =	sld [smem:$0x3F98];
	s0 =	simm.s32 @p0 $0x1  }
0x13: {  	[smem:$0x3FB3] =	sst s0;
	s0 =	simm.s32 @!p1 $0x0  }
0x14: {  	s2 =	sld [smem:$0x3F97];
	s0 =	simm.s32 @p1 $0x1  }
0x15: {  	[smem:$0x3FB4] =	sst s0;
	s0 =	simm.s32 @!p2 $0x0  }
0x16: {  	s3 =	sld [smem:$0x3FDB];
	s0 =	simm.s32 @p2 $0x1  }
0x17: {  	s4 =	simm.s32 $0x1BF5;
	[smem:$0x3FB6] =	sst s0  }
0x18: {  	s0 =	sld [smem:$0x3F99];
	_ =	swait.ge [sflag:s4], $0x0  }
0x19: {  	s7 =	sld [smem:$0x3F9A]  }
0x1a: {  	s8 =	sadd.s32 $0xFFFFE003, lr  }
0x1b: {  	s9 =	sadd.s32 $0xFFFFFEF7, lr;
	s5 =	simm.s32 $0xFFFFFFFF;
	p2 =	slt.u32 s8, $0xFFFFF086  }
0x1c: {  	p1 =	slt.u32 s9, $0xF7A;
	s5 =	simm.s32 @!p2 $0x0  }
0x1d: {  	s5 =	simm.s32 @p1 $0x1;
	p0 =	seq.s32 s7, s2  }
0x1e: {  	s7 =	smul.u32 @!p0 $0xF7A, s2;
	p2 =	seq.s32 @!p0 s5, $0x0  }
0x1f: {  	s9 =	smul.u32 $0xF7A, s1;
	s8 =	simm.s32 @!p0 $0x1BF5;
	p2 =	por !p2, p0  }
0x20: {  	[sflag:s8] =	ssyncset.s32 @!p0 $0xFFFFF086;
	s6 =	sadd.s32 @!p0 s3, s7;
	s7 =	simm.s32 @!p0 $0x108  }
0x21: {  	s3 =	sadd.s32 s3, s9;
	s6 =	sadd.s32 @!p0 $0x88, s6;
	s7 =	simm.s32 @p2 $0x1082  }
0x22: {  	[simem:s7], [sflag:s8] =	dma.local @!p0 [hbm:s6], $0xF7A  }
0x23: {  	s9 =	sor.u32 $0xD0000000, s2;
	s6 =	simm.s32 $0x108;
	_ =	swait.ge @!p0 [sflag:s8], $0x0  }
0x24: {  	s3 =	sadd.s32 $0x88, s3;
	s6 =	simm.s32 @!p1 $0x1082;
	[sflag:s4] =	ssyncset.s32 $0xFFFFF086  }
0x25: {  	[simem:s6], [sflag:s4] =	dma.local [hbm:s3], $0xF7A  }
0x26: {  	[smem:$0x3F9A] =	sst s1;
	(tag) =	ssettag s2;
	_ =	strace s9  }
0x27: {  	s1 =	sld [smem:$0x3FAA]  }
0x28: {  	s2 =	sld [smem:$0x3FAB]  }
0x29: {  	s4 =	sld [smem:$0x3FAD]  }
0x2a: {  	p0 =	seq.s32 s5, $0x0;
	s5 =	sld [smem:$0x3FAE]  }
0x2b: {  	s6 =	sld [smem:$0x3FAF]  }
0x2c: {  	s7 =	sld [smem:$0x3FB0]  }
0x2d: {  	s3 =	simm.s32 $0x108;
	s8 =	sld [smem:$0x3FB1]  }
0x2e: {  	s3 =	simm.s32 @!p0 $0x1082;
	s9 =	sld [smem:$0x3FB2]  }
0x2f: {  	lr =	sadd.s32 s0, s3;
	s0 =	sld [smem:$0x3FA9]  }
0x30: {  	s3 =	sld [smem:$0x3FAC]  }
0x31: {  	[smem:$0x3FB5] =	sst s10  }
0x32: {  	s10 =	sld [smem:$0x3FB3];
	_ =	sdelay $0x3  }
0x33: {  	p0 =	seq.s32 s10, $0x1;
	s10 =	sld [smem:$0x3FB5];
	_ =	sdelay $0x3  }
0x34: {  	[smem:$0x3FB5] =	sst s10  }
0x35: {  	s10 =	sld [smem:$0x3FB4];
	_ =	sdelay $0x3  }
0x36: {  	p1 =	seq.s32 s10, $0x1;
	s10 =	sld [smem:$0x3FB5];
	_ =	sdelay $0x3  }
0x37: {  	[smem:$0x3FB5] =	sst s10  }
0x38: {  	s10 =	sld [smem:$0x3FB6]  }
0x39: {  	_ = 	snop;
	(pc) =	sbr.ind lr, $3  }
0x3a: {  	_ = 	snop  }
0x3b: {  	_ = 	snop  }
0x3c: {  	p2 =	seq.s32 s10, $0x1;
	s10 =	sld [smem:$0x3FB5]  }
0x3d: {  	_ =	shalt  }
0x3e: {  	_ =	shalt  }
0x3f: {  	_ =	shalt  }
0x40: {  	_ =	shalt  }
0x41: {  	_ =	shalt  }
0x42: {  	_ =	shalt  }
0x43: {  	_ =	shalt  }
0x44: {  	_ =	shalt  }
0x45: {  	_ =	shalt  }
0x46: {  	_ =	shalt  }
0x47: {  	_ =	shalt  }
0x48: {  	_ =	shalt  }
0x49: {  	_ =	shalt  }
0x4a: {  	_ =	shalt  }
0x4b: {  	_ =	shalt  }
0x4c: {  	_ =	shalt  }
0x4d: {  	_ =	shalt  }
0x4e: {  	_ =	shalt  }
0x4f: {  	_ =	shalt  }
0x50: {  	_ =	shalt  }
0x51: {  	_ =	shalt  }
0x52: {  	_ =	shalt  }
0x53: {  	_ =	shalt  }
0x54: {  	_ =	shalt  }
0x55: {  	_ =	shalt  }
0x56: {  	_ =	shalt  }
0x57: {  	_ =	shalt  }
0x58: {  	_ =	shalt  }
0x59: {  	_ =	shalt  }
0x5a: {  	_ =	shalt  }
0x5b: {  	_ =	shalt  }
0x5c: {  	_ =	shalt  }
0x5d: {  	_ =	shalt  }
0x5e: {  	_ =	shalt  }
0x5f: {  	_ =	shalt  }
0x60: {  	_ =	shalt  }
0x61: {  	_ =	shalt  }
0x62: {  	_ =	shalt  }
0x63: {  	_ =	shalt  }
0x64: {  	_ =	shalt  }
0x65: {  	_ =	shalt  }
0x66: {  	_ =	shalt  }
0x67: {  	_ =	shalt  }
0x68: {  	_ =	shalt  }
0x69: {  	_ =	shalt  }
0x6a: {  	_ =	shalt  }
0x6b: {  	_ =	shalt  }
0x6c: {  	_ =	shalt  }
0x6d: {  	_ =	shalt  }
0x6e: {  	_ =	shalt  }
0x6f: {  	_ =	shalt  }
0x70: {  	_ =	shalt  }
0x71: {  	_ =	shalt  }
0x72: {  	_ =	shalt  }
0x73: {  	_ =	shalt  }
0x74: {  	_ =	shalt  }
0x75: {  	_ =	shalt  }
0x76: {  	_ =	shalt  }
0x77: {  	_ =	shalt  }
0x78: {  	_ =	shalt  }
0x79: {  	_ =	shalt  }
0x7a: {  	_ =	shalt  }
0x7b: {  	_ =	shalt  }
0x7c: {  	_ =	shalt  }
0x7d: {  	_ =	shalt  }
0x7e: {  	_ =	shalt  }
0x7f: {  	_ =	shalt  }
0x80: {  	_ =	shalt  }
0x81: {  	_ =	shalt  }
0x82: {  	_ =	shalt  }
0x83: {  	_ =	shalt  }
0x84: {  	_ =	shalt  }
0x85: {  	_ =	shalt  }
0x86: {  	_ =	shalt  }
0x87: {  	_ =	shalt  }
.Lfunc_end0:
.L_simem_size_0:
called_computation.1_lowered:
.L_overlay_start_0:
0x88: {  	s2 =	sld [smem:$0x3FD9]  }
0x89: {  	s3 =	sld [smem:$0x3FFE];
	_ =	sdelay $0x1  }
0x8a: {  	s1 =	srdreg.scid  }
0x8b: {  	s0 =	sand.u32 $0x1, s1  }
0x8c: {  	s17 =	sshll.u32 s0, $0xA;
	s2 =	sadd.s32 s3, s2  }
0x8d: {  	s2 =	sadd.s32 s2, s17  }
0x8e: {  	[smem:$0x3FC1] =	sst s2  }
0x8f: {  	_ = 	snop  }
0x90: {  	s18 =	sld [smem:$0x3FC9];
	(tm) =	ssettm $0x1  }
0x91: {  	s19 =	sld [smem:$0x3FFB];
	_ =	sdelay $0x3  }
0x92: {  	_ =	strace s19  }
0x93: {  	s2 =	sld [smem:$0x3FFC];
	_ =	sdelay $0x3  }
0x94: {  	_ =	strace s2  }
0x95: {  	s2 =	sld [smem:$0x3FFD];
	_ =	sdelay $0x3  }
0x96: {  	_ =	strace s2  }
0x97: {  	_ =	strace $0x8FFFFFFF  }
0x98: {  	s20 =	sld [smem:$0x3FDB];
	_ =	sdelay $0x1  }
0x99: {  	s4 =	simm.s32 $_scs_section_size  }
0x9a: {  	s5 =	simm.s32 $_size__tile_overlayer_lowered;
	s6 =	simm.s32 $_tile_overlayer_lowered  }
0x9b: {  	s7 =	simm.s32 $0x1BFF;
	s21 =	sshll.u32 s6, $0x1;
	s4 =	sadd.s32 s4, s20  }
0x9c: {  	s22 =	simm.s32 $0x0;
	s5 =	sshll.u32 s5, $0x1;
	s6 =	sadd.s32 s21, s4  }
0x9d: {  	[timem:s22], [sflag:s7] =	dma.local [hbm:s6], s5  }
0x9e: {  	_ =	swait.ge [sflag:s7], s5  }
0x9f: {  	s5 =	ssub.s32 $0x0, s5;
	[sflag:s7] =	ssyncset.done $0x0  }
0xa0: {  	[sflag:s7] =	ssyncadd.s32 s5;
	_ =	sdelay $0x1  }
0xa1: {  	s23 =	simm.s32 $0x1B8B  }
0xa2: {  	_ =	swait.ge [sflag:s23], $0x1  }
0xa3: {  	[sflag:s23] =	ssyncset.done $0x0  }
0xa4: {  	[sflag:s23] =	ssyncadd.s32 $0xFFFFFFFF  }
0xa5: {  	s5 =	sld [smem:$0x0]  }
0xa6: {  	s6 =	sand.u32 $0xFFFFFFFE, s1  }
0xa7: {  	p0 =	sne.s32 s1, s6  }
0xa8: {  	s6 =	sshll.u32 @p0 s6, $0xE  }
0xa9: {  	s6 =	sadd.s32 @p0 $0x11B8D, s6;
	s7 =	sshll.u32 @p0 s5, $0x11  }
0xaa: {  	s6 =	sor.u32 @p0 s7, s6  }
0xab: {  	[sflag:s6] =	ssyncadd.remote.s32 @p0 $0x1;
	_ =	sdelay $0x1  }
0xac: {  	s6 =	simm.s32 @p0 $0x1B8D  }
0xad: {  	_ =	swait.eq @p0 [sflag:s6], $0x1  }
0xae: {  	[sflag:s6] =	ssyncadd.s32 @p0 $0xFFFFFFFF  }
0xaf: {  	s7 =	sshll.u32 @!p0 s1, $0xE  }
0xb0: {  	s7 =	sor.u32 @!p0 $0x4000, s7;
	s6 =	simm.s32 @!p0 $0x1B8D  }
0xb1: {  	s5 =	sshll.u32 @!p0 s5, $0x11;
	s7 =	sadd.s32 @!p0 $0x11B8D, s7;
	_ =	swait.eq @!p0 [sflag:s6], $0x1  }
0xb2: {  	s5 =	sor.u32 @!p0 s5, s7;
	[sflag:s6] =	ssyncadd.s32 @!p0 $0xFFFFFFFF  }
0xb3: {  	s25 =	simm.s32 $0x1B8E;
	s24 =	sld [smem:$0x3FFE];
	[sflag:s5] =	ssyncadd.remote.s32 @!p0 $0x1  }
0xb4: {  	s26 =	simm.s32 $execute0_lowered;
	[smem:$0x3FD2] =	sst s25  }
0xb5: {  	s6 =	sshll.u32 s26, $0x1;
	_ =	strace $0x80000049;
	[dreg:$0x1] =	wrdreg $0xFFFFFFFF  }
0xb6: {  	s28 =	simm.s32 $_size_execute0_lowered;
	s4 =	sadd.s32 s4, s6;
	[dreg:$0x0] =	wrdreg $0x0  }
0xb7: {  	s6 =	sshll.u32 s28, $0x1;
	[dreg:$0x2] =	wrdreg s4  }
0xb8: {  	[dreg:$0x3] =	wrdreg s6  }
0xb9: {  	[dreg:$0x4] =	wrdreg $0xC0  }
0xba: {  	_ =	task [dreg:s22], $0x5FFFF  }
0xbb: {  	[dreg:$0x1] =	wrdreg $0xFFFFFFFF  }
0xbc: {  	[dreg:$0x0] =	wrdreg $0x60  }
0xbd: {  	[dreg:$0x2] =	wrdreg s18  }
0xbe: {  	[dreg:$0x3] =	wrdreg s24  }
0xbf: {  	[dreg:$0x4] =	wrdreg $0xA  }
0xc0: {  	_ =	task.clear_ibuf [dreg:s22], $0x5FFFF;
	_ =	strace $0x90000049  }
0xc1: {  	s29 =	simm.s32 $0xA;
	_ =	strace $0x8000004B  }
0xc2: {  	_ =	swait.ge [sflag:s29], $0x1  }
0xc3: {  	[sflag:s29] =	ssyncadd.s32 $0xFFFFFFFF  }
0xc4: {  	_ =	strace $0x9000004B  }
0xc5: {  	_ =	sfence  }
0xc6: {  	s30 =	sld [smem:$0x0];
	_ =	sdelay $0x2  }
0xc7: {  	s31 =	sshll.u32 s1, $0xD;
	s1 =	sshrl.u32 s1, $0x2  }
0xc8: {  	s4 =	sand.u32 $0x4000, s31;
	s1 =	sadd.s32 s1, s30  }
0xc9: {  	s0 =	sor.u32 s4, s0;
	s1 =	sshll.u32 s1, $0x11  }
0xca: {  	s0 =	sor.u32 s1, s0  }
0xcb: {  	s0 =	sadd.s32 $0x8F2B, s0  }
0xcc: {  	[sflag:s0] =	ssyncadd.remote.s32 $0x1  }
0xcd: {  	_ =	sfence.sel $0xFFFF  }
0xce: {  	[dreg:$0x0] =	wrdreg $0xFFFFFFFF;
	(pc) =	sbr.abs _section_cstart, $3  }
0xcf: {  	[dreg:$0x1] =	wrdreg $0xFFFFFFFF  }
0xd0: {  	_ =	task.clear_ibuf [dreg:s22], $0x2FFFF;
	_ =	strace $0x9FFFFFFF  }
0xd1: {  	(tm) =	ssettm $0x7FFFFFFF  }
tec
execute0_lowered:
.L_overlay_start_1:
0x0: {  	(tag) =	ssettag $0x1  }
0x1: {  	s1 =	srdreg.scid;
	s0 =	stileid.u32  }
0x2: {  	s18 =	sand.u32 $0x1, s1;
	s30 =	sshll.u32 s0, $0x1  }
0x3: {  	s10 =	sor.u32 s18, s30  }
0x4: {  	s2 =	rddreg [dreg:$0x0];
	s4 =	smul.u32 $0xC8, s10  }
0x5: {  	s9 =	rddreg [dreg:$0x1];
	s3 =	simm.s32 $0x0  }
0x6: {  	s5 =	simm.s32 $0x5;
	[smem:$0x7FF] =	sst s3;
	s4 =	sadd.s32 s4, s9  }
0x7: {  	s1 =	rddreg [dreg:$0x2];
	_ =	strace $0x8000004A;
	s4 =	sadd.s32 $0x1400, s4  }
0x8: {  	[tilespmem:s3], [sflag:$0x5] =	stream.linear.gather [hbm4b:s4+s3], $0x640, $0x38;
	[tilespmem:$0x19680] =	vst v63  }
0x9: {  	_ =	swait.ge [sflag:s5], $0x640  }
0xa: {  	s6 =	simm.s32 $0x190;
	[sflag:s5] =	ssyncset.done $0x0  }
0xb: {  	s7 =	simm.s32 $0x680;
	s8 =	simm.s32 $0x1;
	[sflag:s5] =	ssyncadd.s32 $0xFFFFF9C0  }
0xc: {  	[tilespmem:s7], [sflag:$0x1] =	stream.indirect.gather [hbm4b:s2+s6], $0x80, s3, s6, $0xb8;
	[tilespmem:$0x19680] =	vst v63  }
0xd: {  	s11 =	smul.u32 $0x6400, s10;
	_ =	swait.ge [sflag:s8], $0xC800  }
0xe: {  	s12 =	sadd.s32 $0xCAE00, s9;
	[sflag:s8] =	ssyncset.done $0x0  }
0xf: {  	s9 =	sadd.s32 s12, s11;
	[sflag:s8] =	ssyncadd.s32 $0xFFFF3800  }
0x10: {  	[hbm4b:s9+s3] =	stream.linear.scatter [tilespmem:s7], [sflag:$0x3], $0xC800, $0x38;
	[tilespmem:$0x19680] =	vst v63  }
0x11: {  	s13 =	smul.u32 $0x32000, s10;
	s10 =	simm.s32 $0xCE80;
	s11 =	simm.s32 $0x2  }
0x12: {  	[tilespmem:s10], [sflag:$0x2] =	stream.indirect.gather [hbm4b:s2+s6], $0x80, s6, s6, $0xb8;
	[tilespmem:$0x19680] =	vst v63  }
0x13: {  	s13 =	sshrl.u32 s13, $0x3;
	_ =	swait.ge [sflag:s11], $0xC800  }
0x14: {  	s19 =	sadd.s32 s12, s13;
	[sflag:s11] =	ssyncset.done $0x0  }
0x15: {  	s13 =	simm.s32 $0x3;
	s12 =	sadd.s32 $0x1900, s19;
	[sflag:s11] =	ssyncadd.s32 $0xFFFF3800  }
0x16: {  	[hbm4b:s12+s3] =	stream.linear.scatter [tilespmem:s10], [sflag:$0x4], $0xC800, $0x38;
	[tilespmem:$0x19680] =	vst v63  }
0x17: {  	_ =	swait.ge [sflag:s13], $0xC800  }
0x18: {  	[sflag:s13] =	ssyncset.done $0x0  }
0x19: {  	s14 =	simm.s32 $0x320;
	[sflag:s13] =	ssyncadd.s32 $0xFFFF3800  }
0x1a: {  	[tilespmem:s7], [sflag:$0x1] =	stream.indirect.gather [hbm4b:s2+s6], $0x80, s14, s6, $0xb8;
	[tilespmem:$0x19680] =	vst v63  }
0x1b: {  	_ =	swait.ge [sflag:s8], $0xC800  }
0x1c: {  	[sflag:s8] =	ssyncset.done $0x0  }
0x1d: {  	s15 =	simm.s32 $0x4;
	s16 =	sadd.s32 $0x3200, s19;
	[sflag:s8] =	ssyncadd.s32 $0xFFFF3800  }
0x1e: {  	[hbm4b:s16+s3] =	stream.linear.scatter [tilespmem:s7], [sflag:$0x3], $0xC800, $0x38;
	[tilespmem:$0x19680] =	vst v63  }
0x1f: {  	_ =	swait.ge [sflag:s15], $0xC800  }
0x20: {  	s20 =	ssub.s32 $0x2, s18;
	[sflag:s15] =	ssyncset.done $0x0  }
0x21: {  	s17 =	simm.s32 $0x4B0;
	s31 =	sshrl.u32 s20, $0x1;
	[sflag:s15] =	ssyncadd.s32 $0xFFFF3800  }
0x22: {  	[tilespmem:s10], [sflag:$0x2] =	stream.indirect.gather [hbm4b:s2+s6], $0x80, s17, s6, $0xb8;
	[tilespmem:$0x19680] =	vst v63  }
0x23: {  	s18 =	sadd.s32 $0x4B00, s19;
	s19 =	ssub.s32 s20, s31;
	_ =	swait.ge [sflag:s11], $0xC800  }
0x24: {  	s19 =	smax.u32 s19, $0x1;
	[sflag:s11] =	ssyncset.done $0x0  }
0x25: {  	p0 =	sne.s32 s19, $0x1;
	[sflag:s11] =	ssyncadd.s32 $0xFFFF3800  }
0x26: {  	[hbm4b:s18+s3] =	stream.linear.scatter [tilespmem:s10], [sflag:$0x4], $0xC800, $0x38;
	[tilespmem:$0x19680] =	vst v63  }
.Ltmp0:
0x27: {  	_ =	swait.ge [sflag:s13], $0xC800;
	(pc) =	sbr.rel @!p0 .LBB2_2-.Ltmp0, $4  }
0x28: {  	[sflag:s13] =	ssyncset.done $0x0  }
0x29: {  	[sflag:s13] =	ssyncadd.s32 $0xFFFF3800  }
0x2a: {  	_ =	swait.ge [sflag:s15], $0xC800  }
0x2b: {  	s19 =	sadd.s32 $0xFFFFFFFF, s19;
	[sflag:s15] =	ssyncset.done $0x0  }
.LBB2_1:
0x2c: {  	p0 =	sne.s32 s19, $0x1;
	s19 =	sadd.s32 $0xFFFFFFFF, s19;
	[sflag:s15] =	ssyncadd.s32 $0xFFFF3800  }
0x2d: {  	[tilespmem:s3], [sflag:$0x5] =	stream.linear.gather [hbm4b:s4+s3], $0x640, $0x38;
	[tilespmem:$0x19680] =	vst v63  }
0x2e: {  	_ =	swait.ge [sflag:s5], $0x640  }
0x2f: {  	[sflag:s5] =	ssyncset.done $0x0  }
0x30: {  	[sflag:s5] =	ssyncadd.s32 $0xFFFFF9C0  }
0x31: {  	[tilespmem:s7], [sflag:$0x1] =	stream.indirect.gather [hbm4b:s2+s6], $0x80, s3, s6, $0xb8;
	[tilespmem:$0x19680] =	vst v63  }
0x32: {  	_ =	swait.ge [sflag:s8], $0xC800  }
0x33: {  	[sflag:s8] =	ssyncset.done $0x0  }
0x34: {  	[sflag:s8] =	ssyncadd.s32 $0xFFFF3800  }
0x35: {  	[hbm4b:s9+s3] =	stream.linear.scatter [tilespmem:s7], [sflag:$0x3], $0xC800, $0x38;
	[tilespmem:$0x19680] =	vst v63  }
0x36: {  	_ = 	snop  }
0x37: {  	[tilespmem:s10], [sflag:$0x2] =	stream.indirect.gather [hbm4b:s2+s6], $0x80, s6, s6, $0xb8;
	[tilespmem:$0x19680] =	vst v63  }
0x38: {  	_ =	swait.ge [sflag:s11], $0xC800  }
0x39: {  	[sflag:s11] =	ssyncset.done $0x0  }
0x3a: {  	[sflag:s11] =	ssyncadd.s32 $0xFFFF3800  }
0x3b: {  	[hbm4b:s12+s3] =	stream.linear.scatter [tilespmem:s10], [sflag:$0x4], $0xC800, $0x38;
	[tilespmem:$0x19680] =	vst v63  }
0x3c: {  	_ =	swait.ge [sflag:s13], $0xC800  }
0x3d: {  	[sflag:s13] =	ssyncset.done $0x0  }
0x3e: {  	[sflag:s13] =	ssyncadd.s32 $0xFFFF3800  }
0x3f: {  	[tilespmem:s7], [sflag:$0x1] =	stream.indirect.gather [hbm4b:s2+s6], $0x80, s14, s6, $0xb8;
	[tilespmem:$0x19680] =	vst v63  }
0x40: {  	_ =	swait.ge [sflag:s8], $0xC800  }
0x41: {  	[sflag:s8] =	ssyncset.done $0x0  }
0x42: {  	[sflag:s8] =	ssyncadd.s32 $0xFFFF3800  }
0x43: {  	[hbm4b:s16+s3] =	stream.linear.scatter [tilespmem:s7], [sflag:$0x3], $0xC800, $0x38;
	[tilespmem:$0x19680] =	vst v63  }
0x44: {  	_ =	swait.ge [sflag:s15], $0xC800  }
0x45: {  	[sflag:s15] =	ssyncset.done $0x0  }
0x46: {  	[sflag:s15] =	ssyncadd.s32 $0xFFFF3800  }
0x47: {  	[tilespmem:s10], [sflag:$0x2] =	stream.indirect.gather [hbm4b:s2+s6], $0x80, s17, s6, $0xb8;
	[tilespmem:$0x19680] =	vst v63  }
0x48: {  	_ =	swait.ge [sflag:s11], $0xC800  }
0x49: {  	[sflag:s11] =	ssyncset.done $0x0  }
0x4a: {  	[sflag:s11] =	ssyncadd.s32 $0xFFFF3800  }
0x4b: {  	[hbm4b:s18+s3] =	stream.linear.scatter [tilespmem:s10], [sflag:$0x4], $0xC800, $0x38;
	[tilespmem:$0x19680] =	vst v63  }
.Ltmp1:
0x4c: {  	_ =	swait.ge [sflag:s13], $0xC800;
	(pc) =	sbr.rel @p0 .LBB2_1-.Ltmp1, $4  }
0x4d: {  	[sflag:s13] =	ssyncset.done $0x0  }
0x4e: {  	[sflag:s13] =	ssyncadd.s32 $0xFFFF3800  }
0x4f: {  	_ =	swait.ge [sflag:s15], $0xC800  }
0x50: {  	[sflag:s15] =	ssyncset.done $0x0  }
.LBB2_2:
0x51: {  	[sflag:s15] =	ssyncadd.s32 $0xFFFF3800  }
0x52: {  	_ =	sfence.sel $0x180000  }
0x53: {  	[bflag:$0x0] =	sbarrier.arrive $0xFFFF  }
0x54: {  	p0 =	sne.s32 s0, $0x0;
	_ =	strace $0x9000004A  }
0x55: {  	s0 =	sadd.s32 @!p0 $0x100000, s1;
	[bflag:$0x2] =	sbarrier.arrive $0xFFFF  }
0x56: {  	[sflag:s0] =	ssyncadd.tile.s32 @!p0 $0x1;
	_ =	shalt  }
.Lfunc_end2:
_tile_overlayer_lowered:
.L_overlay_start_2:
0x57: {  	(tag) =	ssettag $0x2  }
0x58: {  	s0 =	rddreg [dreg:$0x0];
	s2 =	stileid.u32  }
0x59: {  	s1 =	rddreg [dreg:$0x1];
	p0 =	sne.s32 s2, $0x0  }
0x5a: {  	s3 =	rddreg [dreg:$0x2];
	[bflag:$0x3] =	sbarrier.arrive $0xFFFF;
	s2 =	simm.s32 @!p0 $0x1C05  }
0x5b: {  	[timem:s3], [sflag:s2] =	dma.local @!p0 [hbm:s0], s1  }
0x5c: {  	s0 =	simm.s32 @!p0 $0x5  }
0x5d: {  	_ =	swait.ge @!p0 [sflag:s0], s1  }
0x5e: {  	s1 =	ssub.s32 @!p0 $0x0, s1;
	[sflag:s0] =	ssyncset.done @!p0 $0x0  }
0x5f: {  	[sflag:s0] =	ssyncadd.s32 @!p0 s1  }
0x60: {  	[bflag:$0x3] =	sbarrier.arrive $0xFFFF  }
0x61: {  	_ =	shalt  }

</sc_bundles>
